<compile_context>
chip_gen: v7x
topology: tpu7x:2x2x1
jax: 0.10.2.dev20260603
libtpu: 0.0.44.dev20260713+nightly
codegen_flags: <defaults>
</compile_context>

<pallas_src>
import functools
import math

import jax
import jax.numpy as jnp
import numpy as np
from jax import lax
from jax.experimental import pallas as pl
from jax.experimental.pallas import tpu as pltpu
from jax.experimental.pallas import tpu_sc as plsc

VOCAB = 100000
SEQ_LEN = 2048
EMB = 128
BATCH = 4

NC = 2
NS = 16
NW = NC * NS
ROWS = BATCH * SEQ_LEN
BPW = ROWS // NW
WPB = NW // BATCH
CH = 128
NCH = BPW // CH
LANES = 16
SCALE = np.float32(math.sqrt(EMB))

_mesh = plsc.VectorSubcoreMesh(core_axis_name="c", subcore_axis_name="s")


@functools.partial(
    pl.kernel,
    out_type=jax.ShapeDtypeStruct((BATCH, SEQ_LEN, EMB), jnp.float32),
    mesh=_mesh,
    scratch_types=[
        pltpu.VMEM((BPW,), jnp.int32),
        pltpu.VMEM((BPW, EMB), jnp.float32),
        pltpu.SemaphoreType.DMA,
        pltpu.SemaphoreType.DMA,
        pltpu.SemaphoreType.DMA,
        pltpu.SemaphoreType.DMA,
        pltpu.SemaphoreType.DMA,
        pltpu.SemaphoreType.DMA,
    ],
)
def _emb_kernel(idx_hbm, tok_hbm, pos_hbm, out_hbm, idx_v, rows_v,
                sem_i, p0, p1, g0, g1, sem_w):
    wid = lax.axis_index("s") * NC + lax.axis_index("c")
    b = wid // WPB
    s0 = lax.rem(wid, WPB) * BPW

    psems = (p0, p1)
    gsems = (g0, g1)

    c_idx = pltpu.async_copy(idx_hbm.at[b].at[pl.ds(s0, BPW)], idx_v, sem_i)
    pcopies = [
        pltpu.async_copy(
            pos_hbm.at[pl.ds(s0 + j * CH, CH)],
            rows_v.at[pl.ds(j * CH, CH)],
            psems[j],
        )
        for j in range(NCH)
    ]
    c_idx.wait()

    gcopies = []
    for j in range(NCH):
        pcopies[j].wait()
        gcopies.append(
            pltpu.async_copy(
                tok_hbm.at[idx_v.at[pl.ds(j * CH, CH)]],
                rows_v.at[pl.ds(j * CH, CH)],
                gsems[j],
                add=True,
            )
        )

    QR = CH // 2

    def compute_part(base_row):
        @plsc.parallel_loop(0, QR, 1, unroll=2)
        def body(i):
            row = base_row + i
            for k in range(EMB // LANES):
                sl = pl.ds(k * LANES, LANES)
                rows_v[row, sl] = rows_v[row, sl] * SCALE

    writes = []
    for j in range(NCH):
        gcopies[j].wait()
        for q in range(CH // QR):
            r0 = j * CH + q * QR
            compute_part(r0)
            writes.append(
                pltpu.async_copy(
                    rows_v.at[pl.ds(r0, QR)],
                    out_hbm.at[b].at[pl.ds(s0 + r0, QR)],
                    sem_w,
                )
            )
    for w in writes:
        w.wait()


def kernel(x_bs, tok_weight, pos_weight):
    return _emb_kernel(x_bs, tok_weight, pos_weight)

# --- scband reference (transcript-rebuilt; emitter-appended) ---
"""Pipeline reference for scband-input-embedding-31842887533211 (READ-ONLY COPY).

The authoritative reference and input builder live on the scoring server;
editing this copy changes nothing except your own understanding.
"""

import jax, jax.numpy as jnp
import numpy as np
import math

VOCAB = 100000
SEQ_LEN = 2048
EMB = 128
BATCH = 4

def setup_inputs(seed: int = 0) -> dict:
    key = jax.random.key(seed)
    k1, k2, k3 = jax.random.split(key, 3)
    x_bs = jax.random.randint(k1, (BATCH, SEQ_LEN), 0, VOCAB, dtype=jnp.int64 if jax.config.jax_enable_x64 else jnp.int32).astype(jnp.int32)
    std = 1.0 / math.sqrt(EMB)
    tok_weight = jax.random.normal(k2, (VOCAB, EMB), dtype=jnp.float32) * std
    pos_weight = jax.random.normal(k3, (SEQ_LEN, EMB), dtype=jnp.float32) * std
    return {"x_bs": x_bs, "tok_weight": tok_weight, "pos_weight": pos_weight}

def reference(x_bs, tok_weight, pos_weight):
    scale = math.sqrt(EMB)
    x_bsd_tok = jnp.take(tok_weight, x_bs, axis=0)          # [B, S, D] gather
    pos_idx = jnp.arange(SEQ_LEN, dtype=jnp.int32)
    x_sd_pos = jnp.take(pos_weight, pos_idx, axis=0)        # [S, D]
    x_bsd = x_bsd_tok + x_sd_pos[None, :, :]
    y_bsd = scale * x_bsd
    return y_bsd

if __name__ == "__main__":
    import jax
    _d = setup_inputs()
    print(jax.jit(kernel)(*tuple(_d.values())))

</pallas_src>

<mosaic_0001>
#map = affine_map<(d0, d1) -> (0, 0)>
#map1 = affine_map<(d0, d1) -> (0, 0, 0)>
module attributes {stable_mosaic.version = 14 : i64} {
  func.func @_emb_kernel(%arg0: i32, %arg1: i32, %arg2: memref<4x2048xi32, #tpu.memory_space<hbm>>, %arg3: memref<100000x128xf32, #tpu.memory_space<hbm>>, %arg4: memref<2048x128xf32, #tpu.memory_space<hbm>>, %arg5: memref<4x2048x128xf32, #tpu.memory_space<hbm>>, %arg6: memref<256xi32, #tpu.memory_space<vmem>>, %arg7: memref<256x128xf32, #tpu.memory_space<vmem>>, %arg8: memref<!tpu.dma_semaphore, #tpu.memory_space<semaphore_mem>>, %arg9: memref<!tpu.dma_semaphore, #tpu.memory_space<semaphore_mem>>, %arg10: memref<!tpu.dma_semaphore, #tpu.memory_space<semaphore_mem>>, %arg11: memref<!tpu.dma_semaphore, #tpu.memory_space<semaphore_mem>>, %arg12: memref<!tpu.dma_semaphore, #tpu.memory_space<semaphore_mem>>, %arg13: memref<!tpu.dma_semaphore, #tpu.memory_space<semaphore_mem>>) attributes {dimension_semantics = [#tpu.dimension_semantics<core_parallel>, #tpu.dimension_semantics<subcore_parallel>], iteration_bounds = array<i64: 2, 16>, scalar_prefetch = 0 : i64, scratch_operands = 8 : i64, tpu.core_type = #tpu.core_type<sc_vector_subcore>, window_params = [{transform_indices = #map}, {transform_indices = #map}, {transform_indices = #map}, {transform_indices = #map1}]} {
    %mul3A = arith.constant 2 : i32
    %mul3A_0 = arith.muli %arg1, %mul3A : i32
    %add3A = arith.addi %mul3A_0, %arg0 : i32
    %jit3A = arith.constant 8 : i32
    %div3A = arith.divsi %add3A, %jit3A : i32
    %sign3A = arith.constant 0 : i32
    %sign3A_1 = arith.cmpi sgt, %add3A, %sign3A : i32
    %sign3A_2 = arith.extui %sign3A_1 : i1 to i32
    %sign3A_3 = arith.constant 0 : i32
    %sign3A_4 = arith.cmpi slt, %add3A, %sign3A_3 : i32
    %sign3A_5 = arith.extui %sign3A_4 : i1 to i32
    %sign3A_6 = arith.subi %sign3A_2, %sign3A_5 : i32
    %sign3A_7 = arith.constant 0 : i32
    %sign3A_8 = arith.cmpi sgt, %jit3A, %sign3A_7 : i32
    %sign3A_9 = arith.extui %sign3A_8 : i1 to i32
    %sign3A_10 = arith.constant 0 : i32
    %sign3A_11 = arith.cmpi slt, %jit3A, %sign3A_10 : i32
    %sign3A_12 = arith.extui %sign3A_11 : i1 to i32
    %sign3A_13 = arith.subi %sign3A_9, %sign3A_12 : i32
    %ne3A = arith.cmpi ne, %sign3A_6, %sign3A_13 : i32
    %rem3A = arith.remsi %add3A, %jit3A : i32
    %ne3A_14 = arith.constant 0 : i32
    %ne3A_15 = arith.cmpi ne, %rem3A, %ne3A_14 : i32
    %and3A = arith.andi %ne3A, %ne3A_15 : i1
    %sub3A = arith.constant 1 : i32
    %sub3A_16 = arith.subi %div3A, %sub3A : i32
    %select_n3A = arith.select %and3A, %sub3A_16, %div3A : i32
    %rem3A_17 = arith.constant 8 : i32
    %rem3A_18 = arith.remsi %add3A, %rem3A_17 : i32
    %mul3A_19 = arith.constant 256 : i32
    %mul3A_20 = arith.muli %rem3A_18, %mul3A_19 : i32
    %dma_start3A = arith.constant 0 : i32
    %dma_start3A_21 = tpu.memref_slice %arg2[%select_n3A, %dma_start3A] : memref<4x2048xi32, #tpu.memory_space<hbm>> -> memref<1x2048xi32, #tpu.memory_space<hbm>>
    %dma_start3A_22 = tpu.memref_squeeze %dma_start3A_21 : memref<1x2048xi32, #tpu.memory_space<hbm>> -> memref<2048xi32, #tpu.memory_space<hbm>>
    %dma_start3A_23 = tpu.memref_slice %dma_start3A_22[%mul3A_20] : memref<2048xi32, #tpu.memory_space<hbm>> -> memref<256xi32, #tpu.memory_space<hbm>>
    %dma_start3A_24 = arith.constant 0 : i32
    %dma_start3A_25 = tpu.memref_slice %arg2[%select_n3A, %dma_start3A_24] : memref<4x2048xi32, #tpu.memory_space<hbm>> -> memref<1x2048xi32, #tpu.memory_space<hbm>>
    %dma_start3A_26 = tpu.memref_squeeze %dma_start3A_25 : memref<1x2048xi32, #tpu.memory_space<hbm>> -> memref<2048xi32, #tpu.memory_space<hbm>>
    %dma_start3A_27 = tpu.memref_slice %dma_start3A_26[%mul3A_20] : memref<2048xi32, #tpu.memory_space<hbm>> -> memref<256xi32, #tpu.memory_space<hbm>>
    tpu.enqueue_dma source(%dma_start3A_27 : memref<256xi32, #tpu.memory_space<hbm>>) target(%arg6 : memref<256xi32, #tpu.memory_space<vmem>>) target_semaphore(%arg8 : memref<!tpu.dma_semaphore, #tpu.memory_space<semaphore_mem>>)
    %add3A_28 = arith.constant 0 : i32
    %add3A_29 = arith.addi %mul3A_20, %add3A_28 : i32
    %dma_start3A_30 = arith.constant 0 : i32
    %dma_start3A_31 = arith.constant 0 : i32
    %dma_start3A_32 = tpu.memref_slice %arg7[%dma_start3A_30, %dma_start3A_31] : memref<256x128xf32, #tpu.memory_space<vmem>> -> memref<128x128xf32, #tpu.memory_space<vmem>>
    %dma_start3A_33 = arith.constant 0 : i32
    %dma_start3A_34 = tpu.memref_slice %arg4[%add3A_29, %dma_start3A_33] : memref<2048x128xf32, #tpu.memory_space<hbm>> -> memref<128x128xf32, #tpu.memory_space<hbm>>
    %dma_start3A_35 = arith.constant 0 : i32
    %dma_start3A_36 = arith.constant 0 : i32
    %dma_start3A_37 = tpu.memref_slice %arg7[%dma_start3A_35, %dma_start3A_36] : memref<256x128xf32, #tpu.memory_space<vmem>> -> memref<128x128xf32, #tpu.memory_space<vmem>>
    %dma_start3A_38 = arith.constant 0 : i32
    %dma_start3A_39 = tpu.memref_slice %arg4[%add3A_29, %dma_start3A_38] : memref<2048x128xf32, #tpu.memory_space<hbm>> -> memref<128x128xf32, #tpu.memory_space<hbm>>
    tpu.enqueue_dma source(%dma_start3A_39 : memref<128x128xf32, #tpu.memory_space<hbm>>) target(%dma_start3A_37 : memref<128x128xf32, #tpu.memory_space<vmem>>) target_semaphore(%arg9 : memref<!tpu.dma_semaphore, #tpu.memory_space<semaphore_mem>>)
    %add3A_40 = arith.constant 128 : i32
    %add3A_41 = arith.addi %mul3A_20, %add3A_40 : i32
    %dma_start3A_42 = arith.constant 128 : i32
    %dma_start3A_43 = arith.constant 0 : i32
    %dma_start3A_44 = tpu.memref_slice %arg7[%dma_start3A_42, %dma_start3A_43] : memref<256x128xf32, #tpu.memory_space<vmem>> -> memref<128x128xf32, #tpu.memory_space<vmem>>
    %dma_start3A_45 = arith.constant 0 : i32
    %dma_start3A_46 = tpu.memref_slice %arg4[%add3A_41, %dma_start3A_45] : memref<2048x128xf32, #tpu.memory_space<hbm>> -> memref<128x128xf32, #tpu.memory_space<hbm>>
    %dma_start3A_47 = arith.constant 128 : i32
    %dma_start3A_48 = arith.constant 0 : i32
    %dma_start3A_49 = tpu.memref_slice %arg7[%dma_start3A_47, %dma_start3A_48] : memref<256x128xf32, #tpu.memory_space<vmem>> -> memref<128x128xf32, #tpu.memory_space<vmem>>
    %dma_start3A_50 = arith.constant 0 : i32
    %dma_start3A_51 = tpu.memref_slice %arg4[%add3A_41, %dma_start3A_50] : memref<2048x128xf32, #tpu.memory_space<hbm>> -> memref<128x128xf32, #tpu.memory_space<hbm>>
    tpu.enqueue_dma source(%dma_start3A_51 : memref<128x128xf32, #tpu.memory_space<hbm>>) target(%dma_start3A_49 : memref<128x128xf32, #tpu.memory_space<vmem>>) target_semaphore(%arg10 : memref<!tpu.dma_semaphore, #tpu.memory_space<semaphore_mem>>)
    %dma_wait3A = arith.constant 0 : i32
    %dma_wait3A_52 = tpu.memref_slice %arg2[%select_n3A, %dma_wait3A] : memref<4x2048xi32, #tpu.memory_space<hbm>> -> memref<1x2048xi32, #tpu.memory_space<hbm>>
    %dma_wait3A_53 = tpu.memref_squeeze %dma_wait3A_52 : memref<1x2048xi32, #tpu.memory_space<hbm>> -> memref<2048xi32, #tpu.memory_space<hbm>>
    %dma_wait3A_54 = tpu.memref_slice %dma_wait3A_53[%mul3A_20] : memref<2048xi32, #tpu.memory_space<hbm>> -> memref<256xi32, #tpu.memory_space<hbm>>
    %dma_wait3A_55 = arith.constant 0 : i32
    %dma_wait3A_56 = tpu.memref_slice %arg2[%select_n3A, %dma_wait3A_55] : memref<4x2048xi32, #tpu.memory_space<hbm>> -> memref<1x2048xi32, #tpu.memory_space<hbm>>
    %dma_wait3A_57 = tpu.memref_squeeze %dma_wait3A_56 : memref<1x2048xi32, #tpu.memory_space<hbm>> -> memref<2048xi32, #tpu.memory_space<hbm>>
    %dma_wait3A_58 = tpu.memref_slice %dma_wait3A_57[%mul3A_20] : memref<2048xi32, #tpu.memory_space<hbm>> -> memref<256xi32, #tpu.memory_space<hbm>>
    tpu.wait_dma2 semaphore(%arg8 : memref<!tpu.dma_semaphore, #tpu.memory_space<semaphore_mem>>) src(%dma_wait3A_58 : memref<256xi32, #tpu.memory_space<hbm>>) dst(%arg6 : memref<256xi32, #tpu.memory_space<vmem>>)
    %dma_wait3A_59 = arith.constant 0 : i32
    %dma_wait3A_60 = arith.constant 0 : i32
    %dma_wait3A_61 = tpu.memref_slice %arg7[%dma_wait3A_59, %dma_wait3A_60] : memref<256x128xf32, #tpu.memory_space<vmem>> -> memref<128x128xf32, #tpu.memory_space<vmem>>
    %dma_wait3A_62 = arith.constant 0 : i32
    %dma_wait3A_63 = tpu.memref_slice %arg4[%add3A_29, %dma_wait3A_62] : memref<2048x128xf32, #tpu.memory_space<hbm>> -> memref<128x128xf32, #tpu.memory_space<hbm>>
    %dma_wait3A_64 = arith.constant 0 : i32
    %dma_wait3A_65 = arith.constant 0 : i32
    %dma_wait3A_66 = tpu.memref_slice %arg7[%dma_wait3A_64, %dma_wait3A_65] : memref<256x128xf32, #tpu.memory_space<vmem>> -> memref<128x128xf32, #tpu.memory_space<vmem>>
    %dma_wait3A_67 = arith.constant 0 : i32
    %dma_wait3A_68 = tpu.memref_slice %arg4[%add3A_29, %dma_wait3A_67] : memref<2048x128xf32, #tpu.memory_space<hbm>> -> memref<128x128xf32, #tpu.memory_space<hbm>>
    tpu.wait_dma2 semaphore(%arg9 : memref<!tpu.dma_semaphore, #tpu.memory_space<semaphore_mem>>) src(%dma_wait3A_68 : memref<128x128xf32, #tpu.memory_space<hbm>>) dst(%dma_wait3A_66 : memref<128x128xf32, #tpu.memory_space<vmem>>)
    %dma_start3A_69 = arith.constant 0 : i32
    %dma_start3A_70 = arith.constant 0 : i32
    %dma_start3A_71 = tpu.memref_slice %arg7[%dma_start3A_69, %dma_start3A_70] : memref<256x128xf32, #tpu.memory_space<vmem>> -> memref<128x128xf32, #tpu.memory_space<vmem>>
    %dma_start3A_72 = arith.constant 0 : i32
    %dma_start3A_73 = tpu.memref_slice %arg6[%dma_start3A_72] : memref<256xi32, #tpu.memory_space<vmem>> -> memref<128xi32, #tpu.memory_space<vmem>>
    %dma_start3A_74 = arith.constant 0 : i32
    %dma_start3A_75 = arith.constant 0 : i32
    %dma_start3A_76 = tpu.memref_slice %arg3[%dma_start3A_74, %dma_start3A_75] : memref<100000x128xf32, #tpu.memory_space<hbm>> -> memref<100000x128xf32, #tpu.memory_space<hbm>>
    tpu.enqueue_indirect_dma source(%dma_start3A_76 : memref<100000x128xf32, #tpu.memory_space<hbm>>) target(%dma_start3A_71 : memref<128x128xf32, #tpu.memory_space<vmem>>) offsets(%dma_start3A_73 : memref<128xi32, #tpu.memory_space<vmem>>) semaphore(%arg11 : memref<!tpu.dma_semaphore, #tpu.memory_space<semaphore_mem>>) {add = true}
    %dma_wait3A_77 = arith.constant 128 : i32
    %dma_wait3A_78 = arith.constant 0 : i32
    %dma_wait3A_79 = tpu.memref_slice %arg7[%dma_wait3A_77, %dma_wait3A_78] : memref<256x128xf32, #tpu.memory_space<vmem>> -> memref<128x128xf32, #tpu.memory_space<vmem>>
    %dma_wait3A_80 = arith.constant 0 : i32
    %dma_wait3A_81 = tpu.memref_slice %arg4[%add3A_41, %dma_wait3A_80] : memref<2048x128xf32, #tpu.memory_space<hbm>> -> memref<128x128xf32, #tpu.memory_space<hbm>>
    %dma_wait3A_82 = arith.constant 128 : i32
    %dma_wait3A_83 = arith.constant 0 : i32
    %dma_wait3A_84 = tpu.memref_slice %arg7[%dma_wait3A_82, %dma_wait3A_83] : memref<256x128xf32, #tpu.memory_space<vmem>> -> memref<128x128xf32, #tpu.memory_space<vmem>>
    %dma_wait3A_85 = arith.constant 0 : i32
    %dma_wait3A_86 = tpu.memref_slice %arg4[%add3A_41, %dma_wait3A_85] : memref<2048x128xf32, #tpu.memory_space<hbm>> -> memref<128x128xf32, #tpu.memory_space<hbm>>
    tpu.wait_dma2 semaphore(%arg10 : memref<!tpu.dma_semaphore, #tpu.memory_space<semaphore_mem>>) src(%dma_wait3A_86 : memref<128x128xf32, #tpu.memory_space<hbm>>) dst(%dma_wait3A_84 : memref<128x128xf32, #tpu.memory_space<vmem>>)
    %dma_start3A_87 = arith.constant 128 : i32
    %dma_start3A_88 = arith.constant 0 : i32
    %dma_start3A_89 = tpu.memref_slice %arg7[%dma_start3A_87, %dma_start3A_88] : memref<256x128xf32, #tpu.memory_space<vmem>> -> memref<128x128xf32, #tpu.memory_space<vmem>>
    %dma_start3A_90 = arith.constant 128 : i32
    %dma_start3A_91 = tpu.memref_slice %arg6[%dma_start3A_90] : memref<256xi32, #tpu.memory_space<vmem>> -> memref<128xi32, #tpu.memory_space<vmem>>
    %dma_start3A_92 = arith.constant 0 : i32
    %dma_start3A_93 = arith.constant 0 : i32
    %dma_start3A_94 = tpu.memref_slice %arg3[%dma_start3A_92, %dma_start3A_93] : memref<100000x128xf32, #tpu.memory_space<hbm>> -> memref<100000x128xf32, #tpu.memory_space<hbm>>
    tpu.enqueue_indirect_dma source(%dma_start3A_94 : memref<100000x128xf32, #tpu.memory_space<hbm>>) target(%dma_start3A_89 : memref<128x128xf32, #tpu.memory_space<vmem>>) offsets(%dma_start3A_91 : memref<128xi32, #tpu.memory_space<vmem>>) semaphore(%arg12 : memref<!tpu.dma_semaphore, #tpu.memory_space<semaphore_mem>>) {add = true}
    %dma_wait3A_95 = arith.constant 0 : i32
    %dma_wait3A_96 = arith.constant 0 : i32
    %dma_wait3A_97 = tpu.memref_slice %arg7[%dma_wait3A_95, %dma_wait3A_96] : memref<256x128xf32, #tpu.memory_space<vmem>> -> memref<128x128xf32, #tpu.memory_space<vmem>>
    %dma_wait3A_98 = arith.constant 0 : i32
    %dma_wait3A_99 = tpu.memref_slice %arg6[%dma_wait3A_98] : memref<256xi32, #tpu.memory_space<vmem>> -> memref<128xi32, #tpu.memory_space<vmem>>
    %dma_wait3A_100 = arith.constant 0 : i32
    %dma_wait3A_101 = arith.constant 0 : i32
    %dma_wait3A_102 = tpu.memref_slice %arg3[%dma_wait3A_100, %dma_wait3A_101] : memref<100000x128xf32, #tpu.memory_space<hbm>> -> memref<100000x128xf32, #tpu.memory_space<hbm>>
    tpu.wait_indirect_dma semaphore(%arg11 : memref<!tpu.dma_semaphore, #tpu.memory_space<semaphore_mem>>) src(%dma_wait3A_102 : memref<100000x128xf32, #tpu.memory_space<hbm>>) dst(%dma_wait3A_97 : memref<128x128xf32, #tpu.memory_space<vmem>>)
    %parallel_loop3A = arith.constant 0 : i32
    %parallel_loop3A_103 = arith.constant 64 : i32
    %parallel_loop3A_104 = arith.constant 1 : i32
    scf.for %parallel_loop3A_274 = %parallel_loop3A to %parallel_loop3A_103 step %parallel_loop3A_104  : i32 {
      %parallel_loop3A_275 = arith.constant 0 : i32
      %parallel_loop3A_276 = arith.addi %parallel_loop3A_275, %parallel_loop3A_274 : i32
      %parallel_loop3A_277 = arith.index_cast %parallel_loop3A_276 : i32 to index
      %parallel_loop3A_278 = arith.constant 0 : index
      %parallel_loop3A_279 = tpu.vector_load %arg7[%parallel_loop3A_277, %parallel_loop3A_278] {strides = array<i32>} : memref<256x128xf32, #tpu.memory_space<vmem>>, vector<1x16xf32>,
      %parallel_loop3A_280 = vector.shape_cast %parallel_loop3A_279 : vector<1x16xf32> to vector<16xf32>
      %parallel_loop3A_281 = arith.constant 11.3137083 : f32
      %parallel_loop3A_282 = vector.broadcast %parallel_loop3A_281 : f32 to vector<16xf32>
      %parallel_loop3A_283 = arith.mulf %parallel_loop3A_280, %parallel_loop3A_282 : vector<16xf32>
      %parallel_loop3A_284 = arith.index_cast %parallel_loop3A_276 : i32 to index
      %parallel_loop3A_285 = arith.constant 0 : index
      %parallel_loop3A_286 = tpu.vector_load %arg7[%parallel_loop3A_284, %parallel_loop3A_285] {strides = array<i32>} : memref<256x128xf32, #tpu.memory_space<vmem>>, vector<1x16xf32>,
      %parallel_loop3A_287 = vector.shape_cast %parallel_loop3A_286 : vector<1x16xf32> to vector<16xf32>
      %parallel_loop3A_288 = vector.shape_cast %parallel_loop3A_283 : vector<16xf32> to vector<1x16xf32>
      tpu.vector_store %arg7[%parallel_loop3A_284, %parallel_loop3A_285], %parallel_loop3A_288 {strides = array<i32>} : memref<256x128xf32, #tpu.memory_space<vmem>>, vector<1x16xf32>,
      %parallel_loop3A_289 = arith.index_cast %parallel_loop3A_276 : i32 to index
      %parallel_loop3A_290 = arith.constant 16 : index
      %parallel_loop3A_291 = tpu.vector_load %arg7[%parallel_loop3A_289, %parallel_loop3A_290] {strides = array<i32>} : memref<256x128xf32, #tpu.memory_space<vmem>>, vector<1x16xf32>,
      %parallel_loop3A_292 = vector.shape_cast %parallel_loop3A_291 : vector<1x16xf32> to vector<16xf32>
      %parallel_loop3A_293 = arith.constant 11.3137083 : f32
      %parallel_loop3A_294 = vector.broadcast %parallel_loop3A_293 : f32 to vector<16xf32>
      %parallel_loop3A_295 = arith.mulf %parallel_loop3A_292, %parallel_loop3A_294 : vector<16xf32>
      %parallel_loop3A_296 = arith.index_cast %parallel_loop3A_276 : i32 to index
      %parallel_loop3A_297 = arith.constant 16 : index
      %parallel_loop3A_298 = tpu.vector_load %arg7[%parallel_loop3A_296, %parallel_loop3A_297] {strides = array<i32>} : memref<256x128xf32, #tpu.memory_space<vmem>>, vector<1x16xf32>,
      %parallel_loop3A_299 = vector.shape_cast %parallel_loop3A_298 : vector<1x16xf32> to vector<16xf32>
      %parallel_loop3A_300 = vector.shape_cast %parallel_loop3A_295 : vector<16xf32> to vector<1x16xf32>
      tpu.vector_store %arg7[%parallel_loop3A_296, %parallel_loop3A_297], %parallel_loop3A_300 {strides = array<i32>} : memref<256x128xf32, #tpu.memory_space<vmem>>, vector<1x16xf32>,
      %parallel_loop3A_301 = arith.index_cast %parallel_loop3A_276 : i32 to index
      %parallel_loop3A_302 = arith.constant 32 : index
      %parallel_loop3A_303 = tpu.vector_load %arg7[%parallel_loop3A_301, %parallel_loop3A_302] {strides = array<i32>} : memref<256x128xf32, #tpu.memory_space<vmem>>, vector<1x16xf32>,
      %parallel_loop3A_304 = vector.shape_cast %parallel_loop3A_303 : vector<1x16xf32> to vector<16xf32>
      %parallel_loop3A_305 = arith.constant 11.3137083 : f32
      %parallel_loop3A_306 = vector.broadcast %parallel_loop3A_305 : f32 to vector<16xf32>
      %parallel_loop3A_307 = arith.mulf %parallel_loop3A_304, %parallel_loop3A_306 : vector<16xf32>
      %parallel_loop3A_308 = arith.index_cast %parallel_loop3A_276 : i32 to index
      %parallel_loop3A_309 = arith.constant 32 : index
      %parallel_loop3A_310 = tpu.vector_load %arg7[%parallel_loop3A_308, %parallel_loop3A_309] {strides = array<i32>} : memref<256x128xf32, #tpu.memory_space<vmem>>, vector<1x16xf32>,
      %parallel_loop3A_311 = vector.shape_cast %parallel_loop3A_310 : vector<1x16xf32> to vector<16xf32>
      %parallel_loop3A_312 = vector.shape_cast %parallel_loop3A_307 : vector<16xf32> to vector<1x16xf32>
      tpu.vector_store %arg7[%parallel_loop3A_308, %parallel_loop3A_309], %parallel_loop3A_312 {strides = array<i32>} : memref<256x128xf32, #tpu.memory_space<vmem>>, vector<1x16xf32>,
      %parallel_loop3A_313 = arith.index_cast %parallel_loop3A_276 : i32 to index
      %parallel_loop3A_314 = arith.constant 48 : index
      %parallel_loop3A_315 = tpu.vector_load %arg7[%parallel_loop3A_313, %parallel_loop3A_314] {strides = array<i32>} : memref<256x128xf32, #tpu.memory_space<vmem>>, vector<1x16xf32>,
      %parallel_loop3A_316 = vector.shape_cast %parallel_loop3A_315 : vector<1x16xf32> to vector<16xf32>
      %parallel_loop3A_317 = arith.constant 11.3137083 : f32
      %parallel_loop3A_318 = vector.broadcast %parallel_loop3A_317 : f32 to vector<16xf32>
      %parallel_loop3A_319 = arith.mulf %parallel_loop3A_316, %parallel_loop3A_318 : vector<16xf32>
      %parallel_loop3A_320 = arith.index_cast %parallel_loop3A_276 : i32 to index
      %parallel_loop3A_321 = arith.constant 48 : index
      %parallel_loop3A_322 = tpu.vector_load %arg7[%parallel_loop3A_320, %parallel_loop3A_321] {strides = array<i32>} : memref<256x128xf32, #tpu.memory_space<vmem>>, vector<1x16xf32>,
      %parallel_loop3A_323 = vector.shape_cast %parallel_loop3A_322 : vector<1x16xf32> to vector<16xf32>
      %parallel_loop3A_324 = vector.shape_cast %parallel_loop3A_319 : vector<16xf32> to vector<1x16xf32>
      tpu.vector_store %arg7[%parallel_loop3A_320, %parallel_loop3A_321], %parallel_loop3A_324 {strides = array<i32>} : memref<256x128xf32, #tpu.memory_space<vmem>>, vector<1x16xf32>,
      %parallel_loop3A_325 = arith.index_cast %parallel_loop3A_276 : i32 to index
      %parallel_loop3A_326 = arith.constant 64 : index
      %parallel_loop3A_327 = tpu.vector_load %arg7[%parallel_loop3A_325, %parallel_loop3A_326] {strides = array<i32>} : memref<256x128xf32, #tpu.memory_space<vmem>>, vector<1x16xf32>,
      %parallel_loop3A_328 = vector.shape_cast %parallel_loop3A_327 : vector<1x16xf32> to vector<16xf32>
      %parallel_loop3A_329 = arith.constant 11.3137083 : f32
      %parallel_loop3A_330 = vector.broadcast %parallel_loop3A_329 : f32 to vector<16xf32>
      %parallel_loop3A_331 = arith.mulf %parallel_loop3A_328, %parallel_loop3A_330 : vector<16xf32>
      %parallel_loop3A_332 = arith.index_cast %parallel_loop3A_276 : i32 to index
      %parallel_loop3A_333 = arith.constant 64 : index
      %parallel_loop3A_334 = tpu.vector_load %arg7[%parallel_loop3A_332, %parallel_loop3A_333] {strides = array<i32>} : memref<256x128xf32, #tpu.memory_space<vmem>>, vector<1x16xf32>,
      %parallel_loop3A_335 = vector.shape_cast %parallel_loop3A_334 : vector<1x16xf32> to vector<16xf32>
      %parallel_loop3A_336 = vector.shape_cast %parallel_loop3A_331 : vector<16xf32> to vector<1x16xf32>
      tpu.vector_store %arg7[%parallel_loop3A_332, %parallel_loop3A_333], %parallel_loop3A_336 {strides = array<i32>} : memref<256x128xf32, #tpu.memory_space<vmem>>, vector<1x16xf32>,
      %parallel_loop3A_337 = arith.index_cast %parallel_loop3A_276 : i32 to index
      %parallel_loop3A_338 = arith.constant 80 : index
      %parallel_loop3A_339 = tpu.vector_load %arg7[%parallel_loop3A_337, %parallel_loop3A_338] {strides = array<i32>} : memref<256x128xf32, #tpu.memory_space<vmem>>, vector<1x16xf32>,
      %parallel_loop3A_340 = vector.shape_cast %parallel_loop3A_339 : vector<1x16xf32> to vector<16xf32>
      %parallel_loop3A_341 = arith.constant 11.3137083 : f32
      %parallel_loop3A_342 = vector.broadcast %parallel_loop3A_341 : f32 to vector<16xf32>
      %parallel_loop3A_343 = arith.mulf %parallel_loop3A_340, %parallel_loop3A_342 : vector<16xf32>
      %parallel_loop3A_344 = arith.index_cast %parallel_loop3A_276 : i32 to index
      %parallel_loop3A_345 = arith.constant 80 : index
      %parallel_loop3A_346 = tpu.vector_load %arg7[%parallel_loop3A_344, %parallel_loop3A_345] {strides = array<i32>} : memref<256x128xf32, #tpu.memory_space<vmem>>, vector<1x16xf32>,
      %parallel_loop3A_347 = vector.shape_cast %parallel_loop3A_346 : vector<1x16xf32> to vector<16xf32>
      %parallel_loop3A_348 = vector.shape_cast %parallel_loop3A_343 : vector<16xf32> to vector<1x16xf32>
      tpu.vector_store %arg7[%parallel_loop3A_344, %parallel_loop3A_345], %parallel_loop3A_348 {strides = array<i32>} : memref<256x128xf32, #tpu.memory_space<vmem>>, vector<1x16xf32>,
      %parallel_loop3A_349 = arith.index_cast %parallel_loop3A_276 : i32 to index
      %parallel_loop3A_350 = arith.constant 96 : index
      %parallel_loop3A_351 = tpu.vector_load %arg7[%parallel_loop3A_349, %parallel_loop3A_350] {strides = array<i32>} : memref<256x128xf32, #tpu.memory_space<vmem>>, vector<1x16xf32>,
      %parallel_loop3A_352 = vector.shape_cast %parallel_loop3A_351 : vector<1x16xf32> to vector<16xf32>
      %parallel_loop3A_353 = arith.constant 11.3137083 : f32
      %parallel_loop3A_354 = vector.broadcast %parallel_loop3A_353 : f32 to vector<16xf32>
      %parallel_loop3A_355 = arith.mulf %parallel_loop3A_352, %parallel_loop3A_354 : vector<16xf32>
      %parallel_loop3A_356 = arith.index_cast %parallel_loop3A_276 : i32 to index
      %parallel_loop3A_357 = arith.constant 96 : index
      %parallel_loop3A_358 = tpu.vector_load %arg7[%parallel_loop3A_356, %parallel_loop3A_357] {strides = array<i32>} : memref<256x128xf32, #tpu.memory_space<vmem>>, vector<1x16xf32>,
      %parallel_loop3A_359 = vector.shape_cast %parallel_loop3A_358 : vector<1x16xf32> to vector<16xf32>
      %parallel_loop3A_360 = vector.shape_cast %parallel_loop3A_355 : vector<16xf32> to vector<1x16xf32>
      tpu.vector_store %arg7[%parallel_loop3A_356, %parallel_loop3A_357], %parallel_loop3A_360 {strides = array<i32>} : memref<256x128xf32, #tpu.memory_space<vmem>>, vector<1x16xf32>,
      %parallel_loop3A_361 = arith.index_cast %parallel_loop3A_276 : i32 to index
      %parallel_loop3A_362 = arith.constant 112 : index
      %parallel_loop3A_363 = tpu.vector_load %arg7[%parallel_loop3A_361, %parallel_loop3A_362] {strides = array<i32>} : memref<256x128xf32, #tpu.memory_space<vmem>>, vector<1x16xf32>,
      %parallel_loop3A_364 = vector.shape_cast %parallel_loop3A_363 : vector<1x16xf32> to vector<16xf32>
      %parallel_loop3A_365 = arith.constant 11.3137083 : f32
      %parallel_loop3A_366 = vector.broadcast %parallel_loop3A_365 : f32 to vector<16xf32>
      %parallel_loop3A_367 = arith.mulf %parallel_loop3A_364, %parallel_loop3A_366 : vector<16xf32>
      %parallel_loop3A_368 = arith.index_cast %parallel_loop3A_276 : i32 to index
      %parallel_loop3A_369 = arith.constant 112 : index
      %parallel_loop3A_370 = tpu.vector_load %arg7[%parallel_loop3A_368, %parallel_loop3A_369] {strides = array<i32>} : memref<256x128xf32, #tpu.memory_space<vmem>>, vector<1x16xf32>,
      %parallel_loop3A_371 = vector.shape_cast %parallel_loop3A_370 : vector<1x16xf32> to vector<16xf32>
      %parallel_loop3A_372 = vector.shape_cast %parallel_loop3A_367 : vector<16xf32> to vector<1x16xf32>
      tpu.vector_store %arg7[%parallel_loop3A_368, %parallel_loop3A_369], %parallel_loop3A_372 {strides = array<i32>} : memref<256x128xf32, #tpu.memory_space<vmem>>, vector<1x16xf32>,
    } {sc.loop_unroll_factor = 2 : i64, sc.parallel_access}
    %add3A_105 = arith.constant 0 : i32
    %add3A_106 = arith.addi %mul3A_20, %add3A_105 : i32
    %dma_start3A_107 = arith.constant 0 : i32
    %dma_start3A_108 = arith.constant 0 : i32
    %dma_start3A_109 = tpu.memref_slice %arg7[%dma_start3A_107, %dma_start3A_108] : memref<256x128xf32, #tpu.memory_space<vmem>> -> memref<64x128xf32, #tpu.memory_space<vmem>>
    %dma_start3A_110 = arith.constant 0 : i32
    %dma_start3A_111 = arith.constant 0 : i32
    %dma_start3A_112 = tpu.memref_slice %arg5[%select_n3A, %dma_start3A_110, %dma_start3A_111] : memref<4x2048x128xf32, #tpu.memory_space<hbm>> -> memref<1x2048x128xf32, #tpu.memory_space<hbm>>
    %dma_start3A_113 = tpu.memref_squeeze %dma_start3A_112 : memref<1x2048x128xf32, #tpu.memory_space<hbm>> -> memref<2048x128xf32, #tpu.memory_space<hbm>>
    %dma_start3A_114 = arith.constant 0 : i32
    %dma_start3A_115 = tpu.memref_slice %dma_start3A_113[%add3A_106, %dma_start3A_114] : memref<2048x128xf32, #tpu.memory_space<hbm>> -> memref<64x128xf32, #tpu.memory_space<hbm>>
    %dma_start3A_116 = arith.constant 0 : i32
    %dma_start3A_117 = arith.constant 0 : i32
    %dma_start3A_118 = tpu.memref_slice %arg5[%select_n3A, %dma_start3A_116, %dma_start3A_117] : memref<4x2048x128xf32, #tpu.memory_space<hbm>> -> memref<1x2048x128xf32, #tpu.memory_space<hbm>>
    %dma_start3A_119 = tpu.memref_squeeze %dma_start3A_118 : memref<1x2048x128xf32, #tpu.memory_space<hbm>> -> memref<2048x128xf32, #tpu.memory_space<hbm>>
    %dma_start3A_120 = arith.constant 0 : i32
    %dma_start3A_121 = tpu.memref_slice %dma_start3A_119[%add3A_106, %dma_start3A_120] : memref<2048x128xf32, #tpu.memory_space<hbm>> -> memref<64x128xf32, #tpu.memory_space<hbm>>
    %dma_start3A_122 = arith.constant 0 : i32
    %dma_start3A_123 = arith.constant 0 : i32
    %dma_start3A_124 = tpu.memref_slice %arg7[%dma_start3A_122, %dma_start3A_123] : memref<256x128xf32, #tpu.memory_space<vmem>> -> memref<64x128xf32, #tpu.memory_space<vmem>>
    tpu.enqueue_dma source(%dma_start3A_124 : memref<64x128xf32, #tpu.memory_space<vmem>>) target(%dma_start3A_121 : memref<64x128xf32, #tpu.memory_space<hbm>>) target_semaphore(%arg13 : memref<!tpu.dma_semaphore, #tpu.memory_space<semaphore_mem>>)
    %parallel_loop3A_125 = arith.constant 0 : i32
    %parallel_loop3A_126 = arith.constant 64 : i32
    %parallel_loop3A_127 = arith.constant 1 : i32
    scf.for %parallel_loop3A_274 = %parallel_loop3A_125 to %parallel_loop3A_126 step %parallel_loop3A_127  : i32 {
      %parallel_loop3A_275 = arith.constant 64 : i32
      %parallel_loop3A_276 = arith.addi %parallel_loop3A_275, %parallel_loop3A_274 : i32
      %parallel_loop3A_277 = arith.index_cast %parallel_loop3A_276 : i32 to index
      %parallel_loop3A_278 = arith.constant 0 : index
      %parallel_loop3A_279 = tpu.vector_load %arg7[%parallel_loop3A_277, %parallel_loop3A_278] {strides = array<i32>} : memref<256x128xf32, #tpu.memory_space<vmem>>, vector<1x16xf32>,
      %parallel_loop3A_280 = vector.shape_cast %parallel_loop3A_279 : vector<1x16xf32> to vector<16xf32>
      %parallel_loop3A_281 = arith.constant 11.3137083 : f32
      %parallel_loop3A_282 = vector.broadcast %parallel_loop3A_281 : f32 to vector<16xf32>
      %parallel_loop3A_283 = arith.mulf %parallel_loop3A_280, %parallel_loop3A_282 : vector<16xf32>
      %parallel_loop3A_284 = arith.index_cast %parallel_loop3A_276 : i32 to index
      %parallel_loop3A_285 = arith.constant 0 : index
      %parallel_loop3A_286 = tpu.vector_load %arg7[%parallel_loop3A_284, %parallel_loop3A_285] {strides = array<i32>} : memref<256x128xf32, #tpu.memory_space<vmem>>, vector<1x16xf32>,
      %parallel_loop3A_287 = vector.shape_cast %parallel_loop3A_286 : vector<1x16xf32> to vector<16xf32>
      %parallel_loop3A_288 = vector.shape_cast %parallel_loop3A_283 : vector<16xf32> to vector<1x16xf32>
      tpu.vector_store %arg7[%parallel_loop3A_284, %parallel_loop3A_285], %parallel_loop3A_288 {strides = array<i32>} : memref<256x128xf32, #tpu.memory_space<vmem>>, vector<1x16xf32>,
      %parallel_loop3A_289 = arith.index_cast %parallel_loop3A_276 : i32 to index
      %parallel_loop3A_290 = arith.constant 16 : index
      %parallel_loop3A_291 = tpu.vector_load %arg7[%parallel_loop3A_289, %parallel_loop3A_290] {strides = array<i32>} : memref<256x128xf32, #tpu.memory_space<vmem>>, vector<1x16xf32>,
      %parallel_loop3A_292 = vector.shape_cast %parallel_loop3A_291 : vector<1x16xf32> to vector<16xf32>
      %parallel_loop3A_293 = arith.constant 11.3137083 : f32
      %parallel_loop3A_294 = vector.broadcast %parallel_loop3A_293 : f32 to vector<16xf32>
      %parallel_loop3A_295 = arith.mulf %parallel_loop3A_292, %parallel_loop3A_294 : vector<16xf32>
      %parallel_loop3A_296 = arith.index_cast %parallel_loop3A_276 : i32 to index
      %parallel_loop3A_297 = arith.constant 16 : index
      %parallel_loop3A_298 = tpu.vector_load %arg7[%parallel_loop3A_296, %parallel_loop3A_297] {strides = array<i32>} : memref<256x128xf32, #tpu.memory_space<vmem>>, vector<1x16xf32>,
      %parallel_loop3A_299 = vector.shape_cast %parallel_loop3A_298 : vector<1x16xf32> to vector<16xf32>
      %parallel_loop3A_300 = vector.shape_cast %parallel_loop3A_295 : vector<16xf32> to vector<1x16xf32>
      tpu.vector_store %arg7[%parallel_loop3A_296, %parallel_loop3A_297], %parallel_loop3A_300 {strides = array<i32>} : memref<256x128xf32, #tpu.memory_space<vmem>>, vector<1x16xf32>,
      %parallel_loop3A_301 = arith.index_cast %parallel_loop3A_276 : i32 to index
      %parallel_loop3A_302 = arith.constant 32 : index
      %parallel_loop3A_303 = tpu.vector_load %arg7[%parallel_loop3A_301, %parallel_loop3A_302] {strides = array<i32>} : memref<256x128xf32, #tpu.memory_space<vmem>>, vector<1x16xf32>,
      %parallel_loop3A_304 = vector.shape_cast %parallel_loop3A_303 : vector<1x16xf32> to vector<16xf32>
      %parallel_loop3A_305 = arith.constant 11.3137083 : f32
      %parallel_loop3A_306 = vector.broadcast %parallel_loop3A_305 : f32 to vector<16xf32>
      %parallel_loop3A_307 = arith.mulf %parallel_loop3A_304, %parallel_loop3A_306 : vector<16xf32>
      %parallel_loop3A_308 = arith.index_cast %parallel_loop3A_276 : i32 to index
      %parallel_loop3A_309 = arith.constant 32 : index
      %parallel_loop3A_310 = tpu.vector_load %arg7[%parallel_loop3A_308, %parallel_loop3A_309] {strides = array<i32>} : memref<256x128xf32, #tpu.memory_space<vmem>>, vector<1x16xf32>,
      %parallel_loop3A_311 = vector.shape_cast %parallel_loop3A_310 : vector<1x16xf32> to vector<16xf32>
      %parallel_loop3A_312 = vector.shape_cast %parallel_loop3A_307 : vector<16xf32> to vector<1x16xf32>
      tpu.vector_store %arg7[%parallel_loop3A_308, %parallel_loop3A_309], %parallel_loop3A_312 {strides = array<i32>} : memref<256x128xf32, #tpu.memory_space<vmem>>, vector<1x16xf32>,
      %parallel_loop3A_313 = arith.index_cast %parallel_loop3A_276 : i32 to index
      %parallel_loop3A_314 = arith.constant 48 : index
      %parallel_loop3A_315 = tpu.vector_load %arg7[%parallel_loop3A_313, %parallel_loop3A_314] {strides = array<i32>} : memref<256x128xf32, #tpu.memory_space<vmem>>, vector<1x16xf32>,
      %parallel_loop3A_316 = vector.shape_cast %parallel_loop3A_315 : vector<1x16xf32> to vector<16xf32>
      %parallel_loop3A_317 = arith.constant 11.3137083 : f32
      %parallel_loop3A_318 = vector.broadcast %parallel_loop3A_317 : f32 to vector<16xf32>
      %parallel_loop3A_319 = arith.mulf %parallel_loop3A_316, %parallel_loop3A_318 : vector<16xf32>
      %parallel_loop3A_320 = arith.index_cast %parallel_loop3A_276 : i32 to index
      %parallel_loop3A_321 = arith.constant 48 : index
      %parallel_loop3A_322 = tpu.vector_load %arg7[%parallel_loop3A_320, %parallel_loop3A_321] {strides = array<i32>} : memref<256x128xf32, #tpu.memory_space<vmem>>, vector<1x16xf32>,
      %parallel_loop3A_323 = vector.shape_cast %parallel_loop3A_322 : vector<1x16xf32> to vector<16xf32>
      %parallel_loop3A_324 = vector.shape_cast %parallel_loop3A_319 : vector<16xf32> to vector<1x16xf32>
      tpu.vector_store %arg7[%parallel_loop3A_320, %parallel_loop3A_321], %parallel_loop3A_324 {strides = array<i32>} : memref<256x128xf32, #tpu.memory_space<vmem>>, vector<1x16xf32>,
      %parallel_loop3A_325 = arith.index_cast %parallel_loop3A_276 : i32 to index
      %parallel_loop3A_326 = arith.constant 64 : index
      %parallel_loop3A_327 = tpu.vector_load %arg7[%parallel_loop3A_325, %parallel_loop3A_326] {strides = array<i32>} : memref<256x128xf32, #tpu.memory_space<vmem>>, vector<1x16xf32>,
      %parallel_loop3A_328 = vector.shape_cast %parallel_loop3A_327 : vector<1x16xf32> to vector<16xf32>
      %parallel_loop3A_329 = arith.constant 11.3137083 : f32
      %parallel_loop3A_330 = vector.broadcast %parallel_loop3A_329 : f32 to vector<16xf32>
      %parallel_loop3A_331 = arith.mulf %parallel_loop3A_328, %parallel_loop3A_330 : vector<16xf32>
      %parallel_loop3A_332 = arith.index_cast %parallel_loop3A_276 : i32 to index
      %parallel_loop3A_333 = arith.constant 64 : index
      %parallel_loop3A_334 = tpu.vector_load %arg7[%parallel_loop3A_332, %parallel_loop3A_333] {strides = array<i32>} : memref<256x128xf32, #tpu.memory_space<vmem>>, vector<1x16xf32>,
      %parallel_loop3A_335 = vector.shape_cast %parallel_loop3A_334 : vector<1x16xf32> to vector<16xf32>
      %parallel_loop3A_336 = vector.shape_cast %parallel_loop3A_331 : vector<16xf32> to vector<1x16xf32>
      tpu.vector_store %arg7[%parallel_loop3A_332, %parallel_loop3A_333], %parallel_loop3A_336 {strides = array<i32>} : memref<256x128xf32, #tpu.memory_space<vmem>>, vector<1x16xf32>,
      %parallel_loop3A_337 = arith.index_cast %parallel_loop3A_276 : i32 to index
      %parallel_loop3A_338 = arith.constant 80 : index
      %parallel_loop3A_339 = tpu.vector_load %arg7[%parallel_loop3A_337, %parallel_loop3A_338] {strides = array<i32>} : memref<256x128xf32, #tpu.memory_space<vmem>>, vector<1x16xf32>,
      %parallel_loop3A_340 = vector.shape_cast %parallel_loop3A_339 : vector<1x16xf32> to vector<16xf32>
      %parallel_loop3A_341 = arith.constant 11.3137083 : f32
      %parallel_loop3A_342 = vector.broadcast %parallel_loop3A_341 : f32 to vector<16xf32>
      %parallel_loop3A_343 = arith.mulf %parallel_loop3A_340, %parallel_loop3A_342 : vector<16xf32>
      %parallel_loop3A_344 = arith.index_cast %parallel_loop3A_276 : i32 to index
      %parallel_loop3A_345 = arith.constant 80 : index
      %parallel_loop3A_346 = tpu.vector_load %arg7[%parallel_loop3A_344, %parallel_loop3A_345] {strides = array<i32>} : memref<256x128xf32, #tpu.memory_space<vmem>>, vector<1x16xf32>,
      %parallel_loop3A_347 = vector.shape_cast %parallel_loop3A_346 : vector<1x16xf32> to vector<16xf32>
      %parallel_loop3A_348 = vector.shape_cast %parallel_loop3A_343 : vector<16xf32> to vector<1x16xf32>
      tpu.vector_store %arg7[%parallel_loop3A_344, %parallel_loop3A_345], %parallel_loop3A_348 {strides = array<i32>} : memref<256x128xf32, #tpu.memory_space<vmem>>, vector<1x16xf32>,
      %parallel_loop3A_349 = arith.index_cast %parallel_loop3A_276 : i32 to index
      %parallel_loop3A_350 = arith.constant 96 : index
      %parallel_loop3A_351 = tpu.vector_load %arg7[%parallel_loop3A_349, %parallel_loop3A_350] {strides = array<i32>} : memref<256x128xf32, #tpu.memory_space<vmem>>, vector<1x16xf32>,
      %parallel_loop3A_352 = vector.shape_cast %parallel_loop3A_351 : vector<1x16xf32> to vector<16xf32>
      %parallel_loop3A_353 = arith.constant 11.3137083 : f32
      %parallel_loop3A_354 = vector.broadcast %parallel_loop3A_353 : f32 to vector<16xf32>
      %parallel_loop3A_355 = arith.mulf %parallel_loop3A_352, %parallel_loop3A_354 : vector<16xf32>
      %parallel_loop3A_356 = arith.index_cast %parallel_loop3A_276 : i32 to index
      %parallel_loop3A_357 = arith.constant 96 : index
      %parallel_loop3A_358 = tpu.vector_load %arg7[%parallel_loop3A_356, %parallel_loop3A_357] {strides = array<i32>} : memref<256x128xf32, #tpu.memory_space<vmem>>, vector<1x16xf32>,
      %parallel_loop3A_359 = vector.shape_cast %parallel_loop3A_358 : vector<1x16xf32> to vector<16xf32>
      %parallel_loop3A_360 = vector.shape_cast %parallel_loop3A_355 : vector<16xf32> to vector<1x16xf32>
      tpu.vector_store %arg7[%parallel_loop3A_356, %parallel_loop3A_357], %parallel_loop3A_360 {strides = array<i32>} : memref<256x128xf32, #tpu.memory_space<vmem>>, vector<1x16xf32>,
      %parallel_loop3A_361 = arith.index_cast %parallel_loop3A_276 : i32 to index
      %parallel_loop3A_362 = arith.constant 112 : index
      %parallel_loop3A_363 = tpu.vector_load %arg7[%parallel_loop3A_361, %parallel_loop3A_362] {strides = array<i32>} : memref<256x128xf32, #tpu.memory_space<vmem>>, vector<1x16xf32>,
      %parallel_loop3A_364 = vector.shape_cast %parallel_loop3A_363 : vector<1x16xf32> to vector<16xf32>
      %parallel_loop3A_365 = arith.constant 11.3137083 : f32
      %parallel_loop3A_366 = vector.broadcast %parallel_loop3A_365 : f32 to vector<16xf32>
      %parallel_loop3A_367 = arith.mulf %parallel_loop3A_364, %parallel_loop3A_366 : vector<16xf32>
      %parallel_loop3A_368 = arith.index_cast %parallel_loop3A_276 : i32 to index
      %parallel_loop3A_369 = arith.constant 112 : index
      %parallel_loop3A_370 = tpu.vector_load %arg7[%parallel_loop3A_368, %parallel_loop3A_369] {strides = array<i32>} : memref<256x128xf32, #tpu.memory_space<vmem>>, vector<1x16xf32>,
      %parallel_loop3A_371 = vector.shape_cast %parallel_loop3A_370 : vector<1x16xf32> to vector<16xf32>
      %parallel_loop3A_372 = vector.shape_cast %parallel_loop3A_367 : vector<16xf32> to vector<1x16xf32>
      tpu.vector_store %arg7[%parallel_loop3A_368, %parallel_loop3A_369], %parallel_loop3A_372 {strides = array<i32>} : memref<256x128xf32, #tpu.memory_space<vmem>>, vector<1x16xf32>,
    } {sc.loop_unroll_factor = 2 : i64, sc.parallel_access}
    %add3A_128 = arith.constant 64 : i32
    %add3A_129 = arith.addi %mul3A_20, %add3A_128 : i32
    %dma_start3A_130 = arith.constant 64 : i32
    %dma_start3A_131 = arith.constant 0 : i32
    %dma_start3A_132 = tpu.memref_slice %arg7[%dma_start3A_130, %dma_start3A_131] : memref<256x128xf32, #tpu.memory_space<vmem>> -> memref<64x128xf32, #tpu.memory_space<vmem>>
    %dma_start3A_133 = arith.constant 0 : i32
    %dma_start3A_134 = arith.constant 0 : i32
    %dma_start3A_135 = tpu.memref_slice %arg5[%select_n3A, %dma_start3A_133, %dma_start3A_134] : memref<4x2048x128xf32, #tpu.memory_space<hbm>> -> memref<1x2048x128xf32, #tpu.memory_space<hbm>>
    %dma_start3A_136 = tpu.memref_squeeze %dma_start3A_135 : memref<1x2048x128xf32, #tpu.memory_space<hbm>> -> memref<2048x128xf32, #tpu.memory_space<hbm>>
    %dma_start3A_137 = arith.constant 0 : i32
    %dma_start3A_138 = tpu.memref_slice %dma_start3A_136[%add3A_129, %dma_start3A_137] : memref<2048x128xf32, #tpu.memory_space<hbm>> -> memref<64x128xf32, #tpu.memory_space<hbm>>
    %dma_start3A_139 = arith.constant 0 : i32
    %dma_start3A_140 = arith.constant 0 : i32
    %dma_start3A_141 = tpu.memref_slice %arg5[%select_n3A, %dma_start3A_139, %dma_start3A_140] : memref<4x2048x128xf32, #tpu.memory_space<hbm>> -> memref<1x2048x128xf32, #tpu.memory_space<hbm>>
    %dma_start3A_142 = tpu.memref_squeeze %dma_start3A_141 : memref<1x2048x128xf32, #tpu.memory_space<hbm>> -> memref<2048x128xf32, #tpu.memory_space<hbm>>
    %dma_start3A_143 = arith.constant 0 : i32
    %dma_start3A_144 = tpu.memref_slice %dma_start3A_142[%add3A_129, %dma_start3A_143] : memref<2048x128xf32, #tpu.memory_space<hbm>> -> memref<64x128xf32, #tpu.memory_space<hbm>>
    %dma_start3A_145 = arith.constant 64 : i32
    %dma_start3A_146 = arith.constant 0 : i32
    %dma_start3A_147 = tpu.memref_slice %arg7[%dma_start3A_145, %dma_start3A_146] : memref<256x128xf32, #tpu.memory_space<vmem>> -> memref<64x128xf32, #tpu.memory_space<vmem>>
    tpu.enqueue_dma source(%dma_start3A_147 : memref<64x128xf32, #tpu.memory_space<vmem>>) target(%dma_start3A_144 : memref<64x128xf32, #tpu.memory_space<hbm>>) target_semaphore(%arg13 : memref<!tpu.dma_semaphore, #tpu.memory_space<semaphore_mem>>)
    %dma_wait3A_148 = arith.constant 128 : i32
    %dma_wait3A_149 = arith.constant 0 : i32
    %dma_wait3A_150 = tpu.memref_slice %arg7[%dma_wait3A_148, %dma_wait3A_149] : memref<256x128xf32, #tpu.memory_space<vmem>> -> memref<128x128xf32, #tpu.memory_space<vmem>>
    %dma_wait3A_151 = arith.constant 128 : i32
    %dma_wait3A_152 = tpu.memref_slice %arg6[%dma_wait3A_151] : memref<256xi32, #tpu.memory_space<vmem>> -> memref<128xi32, #tpu.memory_space<vmem>>
    %dma_wait3A_153 = arith.constant 0 : i32
    %dma_wait3A_154 = arith.constant 0 : i32
    %dma_wait3A_155 = tpu.memref_slice %arg3[%dma_wait3A_153, %dma_wait3A_154] : memref<100000x128xf32, #tpu.memory_space<hbm>> -> memref<100000x128xf32, #tpu.memory_space<hbm>>
    tpu.wait_indirect_dma semaphore(%arg12 : memref<!tpu.dma_semaphore, #tpu.memory_space<semaphore_mem>>) src(%dma_wait3A_155 : memref<100000x128xf32, #tpu.memory_space<hbm>>) dst(%dma_wait3A_150 : memref<128x128xf32, #tpu.memory_space<vmem>>)
    %parallel_loop3A_156 = arith.constant 0 : i32
    %parallel_loop3A_157 = arith.constant 64 : i32
    %parallel_loop3A_158 = arith.constant 1 : i32
    scf.for %parallel_loop3A_274 = %parallel_loop3A_156 to %parallel_loop3A_157 step %parallel_loop3A_158  : i32 {
      %parallel_loop3A_275 = arith.constant 128 : i32
      %parallel_loop3A_276 = arith.addi %parallel_loop3A_275, %parallel_loop3A_274 : i32
      %parallel_loop3A_277 = arith.index_cast %parallel_loop3A_276 : i32 to index
      %parallel_loop3A_278 = arith.constant 0 : index
      %parallel_loop3A_279 = tpu.vector_load %arg7[%parallel_loop3A_277, %parallel_loop3A_278] {strides = array<i32>} : memref<256x128xf32, #tpu.memory_space<vmem>>, vector<1x16xf32>,
      %parallel_loop3A_280 = vector.shape_cast %parallel_loop3A_279 : vector<1x16xf32> to vector<16xf32>
      %parallel_loop3A_281 = arith.constant 11.3137083 : f32
      %parallel_loop3A_282 = vector.broadcast %parallel_loop3A_281 : f32 to vector<16xf32>
      %parallel_loop3A_283 = arith.mulf %parallel_loop3A_280, %parallel_loop3A_282 : vector<16xf32>
      %parallel_loop3A_284 = arith.index_cast %parallel_loop3A_276 : i32 to index
      %parallel_loop3A_285 = arith.constant 0 : index
      %parallel_loop3A_286 = tpu.vector_load %arg7[%parallel_loop3A_284, %parallel_loop3A_285] {strides = array<i32>} : memref<256x128xf32, #tpu.memory_space<vmem>>, vector<1x16xf32>,
      %parallel_loop3A_287 = vector.shape_cast %parallel_loop3A_286 : vector<1x16xf32> to vector<16xf32>
      %parallel_loop3A_288 = vector.shape_cast %parallel_loop3A_283 : vector<16xf32> to vector<1x16xf32>
      tpu.vector_store %arg7[%parallel_loop3A_284, %parallel_loop3A_285], %parallel_loop3A_288 {strides = array<i32>} : memref<256x128xf32, #tpu.memory_space<vmem>>, vector<1x16xf32>,
      %parallel_loop3A_289 = arith.index_cast %parallel_loop3A_276 : i32 to index
      %parallel_loop3A_290 = arith.constant 16 : index
      %parallel_loop3A_291 = tpu.vector_load %arg7[%parallel_loop3A_289, %parallel_loop3A_290] {strides = array<i32>} : memref<256x128xf32, #tpu.memory_space<vmem>>, vector<1x16xf32>,
      %parallel_loop3A_292 = vector.shape_cast %parallel_loop3A_291 : vector<1x16xf32> to vector<16xf32>
      %parallel_loop3A_293 = arith.constant 11.3137083 : f32
      %parallel_loop3A_294 = vector.broadcast %parallel_loop3A_293 : f32 to vector<16xf32>
      %parallel_loop3A_295 = arith.mulf %parallel_loop3A_292, %parallel_loop3A_294 : vector<16xf32>
      %parallel_loop3A_296 = arith.index_cast %parallel_loop3A_276 : i32 to index
      %parallel_loop3A_297 = arith.constant 16 : index
      %parallel_loop3A_298 = tpu.vector_load %arg7[%parallel_loop3A_296, %parallel_loop3A_297] {strides = array<i32>} : memref<256x128xf32, #tpu.memory_space<vmem>>, vector<1x16xf32>,
      %parallel_loop3A_299 = vector.shape_cast %parallel_loop3A_298 : vector<1x16xf32> to vector<16xf32>
      %parallel_loop3A_300 = vector.shape_cast %parallel_loop3A_295 : vector<16xf32> to vector<1x16xf32>
      tpu.vector_store %arg7[%parallel_loop3A_296, %parallel_loop3A_297], %parallel_loop3A_300 {strides = array<i32>} : memref<256x128xf32, #tpu.memory_space<vmem>>, vector<1x16xf32>,
      %parallel_loop3A_301 = arith.index_cast %parallel_loop3A_276 : i32 to index
      %parallel_loop3A_302 = arith.constant 32 : index
      %parallel_loop3A_303 = tpu.vector_load %arg7[%parallel_loop3A_301, %parallel_loop3A_302] {strides = array<i32>} : memref<256x128xf32, #tpu.memory_space<vmem>>, vector<1x16xf32>,
      %parallel_loop3A_304 = vector.shape_cast %parallel_loop3A_303 : vector<1x16xf32> to vector<16xf32>
      %parallel_loop3A_305 = arith.constant 11.3137083 : f32
      %parallel_loop3A_306 = vector.broadcast %parallel_loop3A_305 : f32 to vector<16xf32>
      %parallel_loop3A_307 = arith.mulf %parallel_loop3A_304, %parallel_loop3A_306 : vector<16xf32>
      %parallel_loop3A_308 = arith.index_cast %parallel_loop3A_276 : i32 to index
      %parallel_loop3A_309 = arith.constant 32 : index
      %parallel_loop3A_310 = tpu.vector_load %arg7[%parallel_loop3A_308, %parallel_loop3A_309] {strides = array<i32>} : memref<256x128xf32, #tpu.memory_space<vmem>>, vector<1x16xf32>,
      %parallel_loop3A_311 = vector.shape_cast %parallel_loop3A_310 : vector<1x16xf32> to vector<16xf32>
      %parallel_loop3A_312 = vector.shape_cast %parallel_loop3A_307 : vector<16xf32> to vector<1x16xf32>
      tpu.vector_store %arg7[%parallel_loop3A_308, %parallel_loop3A_309], %parallel_loop3A_312 {strides = array<i32>} : memref<256x128xf32, #tpu.memory_space<vmem>>, vector<1x16xf32>,
      %parallel_loop3A_313 = arith.index_cast %parallel_loop3A_276 : i32 to index
      %parallel_loop3A_314 = arith.constant 48 : index
      %parallel_loop3A_315 = tpu.vector_load %arg7[%parallel_loop3A_313, %parallel_loop3A_314] {strides = array<i32>} : memref<256x128xf32, #tpu.memory_space<vmem>>, vector<1x16xf32>,
      %parallel_loop3A_316 = vector.shape_cast %parallel_loop3A_315 : vector<1x16xf32> to vector<16xf32>
      %parallel_loop3A_317 = arith.constant 11.3137083 : f32
      %parallel_loop3A_318 = vector.broadcast %parallel_loop3A_317 : f32 to vector<16xf32>
      %parallel_loop3A_319 = arith.mulf %parallel_loop3A_316, %parallel_loop3A_318 : vector<16xf32>
      %parallel_loop3A_320 = arith.index_cast %parallel_loop3A_276 : i32 to index
      %parallel_loop3A_321 = arith.constant 48 : index
      %parallel_loop3A_322 = tpu.vector_load %arg7[%parallel_loop3A_320, %parallel_loop3A_321] {strides = array<i32>} : memref<256x128xf32, #tpu.memory_space<vmem>>, vector<1x16xf32>,
      %parallel_loop3A_323 = vector.shape_cast %parallel_loop3A_322 : vector<1x16xf32> to vector<16xf32>
      %parallel_loop3A_324 = vector.shape_cast %parallel_loop3A_319 : vector<16xf32> to vector<1x16xf32>
      tpu.vector_store %arg7[%parallel_loop3A_320, %parallel_loop3A_321], %parallel_loop3A_324 {strides = array<i32>} : memref<256x128xf32, #tpu.memory_space<vmem>>, vector<1x16xf32>,
      %parallel_loop3A_325 = arith.index_cast %parallel_loop3A_276 : i32 to index
      %parallel_loop3A_326 = arith.constant 64 : index
      %parallel_loop3A_327 = tpu.vector_load %arg7[%parallel_loop3A_325, %parallel_loop3A_326] {strides = array<i32>} : memref<256x128xf32, #tpu.memory_space<vmem>>, vector<1x16xf32>,
      %parallel_loop3A_328 = vector.shape_cast %parallel_loop3A_327 : vector<1x16xf32> to vector<16xf32>
      %parallel_loop3A_329 = arith.constant 11.3137083 : f32
      %parallel_loop3A_330 = vector.broadcast %parallel_loop3A_329 : f32 to vector<16xf32>
      %parallel_loop3A_331 = arith.mulf %parallel_loop3A_328, %parallel_loop3A_330 : vector<16xf32>
      %parallel_loop3A_332 = arith.index_cast %parallel_loop3A_276 : i32 to index
      %parallel_loop3A_333 = arith.constant 64 : index
      %parallel_loop3A_334 = tpu.vector_load %arg7[%parallel_loop3A_332, %parallel_loop3A_333] {strides = array<i32>} : memref<256x128xf32, #tpu.memory_space<vmem>>, vector<1x16xf32>,
      %parallel_loop3A_335 = vector.shape_cast %parallel_loop3A_334 : vector<1x16xf32> to vector<16xf32>
      %parallel_loop3A_336 = vector.shape_cast %parallel_loop3A_331 : vector<16xf32> to vector<1x16xf32>
      tpu.vector_store %arg7[%parallel_loop3A_332, %parallel_loop3A_333], %parallel_loop3A_336 {strides = array<i32>} : memref<256x128xf32, #tpu.memory_space<vmem>>, vector<1x16xf32>,
      %parallel_loop3A_337 = arith.index_cast %parallel_loop3A_276 : i32 to index
      %parallel_loop3A_338 = arith.constant 80 : index
      %parallel_loop3A_339 = tpu.vector_load %arg7[%parallel_loop3A_337, %parallel_loop3A_338] {strides = array<i32>} : memref<256x128xf32, #tpu.memory_space<vmem>>, vector<1x16xf32>,
      %parallel_loop3A_340 = vector.shape_cast %parallel_loop3A_339 : vector<1x16xf32> to vector<16xf32>
      %parallel_loop3A_341 = arith.constant 11.3137083 : f32
      %parallel_loop3A_342 = vector.broadcast %parallel_loop3A_341 : f32 to vector<16xf32>
      %parallel_loop3A_343 = arith.mulf %parallel_loop3A_340, %parallel_loop3A_342 : vector<16xf32>
      %parallel_loop3A_344 = arith.index_cast %parallel_loop3A_276 : i32 to index
      %parallel_loop3A_345 = arith.constant 80 : index
      %parallel_loop3A_346 = tpu.vector_load %arg7[%parallel_loop3A_344, %parallel_loop3A_345] {strides = array<i32>} : memref<256x128xf32, #tpu.memory_space<vmem>>, vector<1x16xf32>,
      %parallel_loop3A_347 = vector.shape_cast %parallel_loop3A_346 : vector<1x16xf32> to vector<16xf32>
      %parallel_loop3A_348 = vector.shape_cast %parallel_loop3A_343 : vector<16xf32> to vector<1x16xf32>
      tpu.vector_store %arg7[%parallel_loop3A_344, %parallel_loop3A_345], %parallel_loop3A_348 {strides = array<i32>} : memref<256x128xf32, #tpu.memory_space<vmem>>, vector<1x16xf32>,
      %parallel_loop3A_349 = arith.index_cast %parallel_loop3A_276 : i32 to index
      %parallel_loop3A_350 = arith.constant 96 : index
      %parallel_loop3A_351 = tpu.vector_load %arg7[%parallel_loop3A_349, %parallel_loop3A_350] {strides = array<i32>} : memref<256x128xf32, #tpu.memory_space<vmem>>, vector<1x16xf32>,
      %parallel_loop3A_352 = vector.shape_cast %parallel_loop3A_351 : vector<1x16xf32> to vector<16xf32>
      %parallel_loop3A_353 = arith.constant 11.3137083 : f32
      %parallel_loop3A_354 = vector.broadcast %parallel_loop3A_353 : f32 to vector<16xf32>
      %parallel_loop3A_355 = arith.mulf %parallel_loop3A_352, %parallel_loop3A_354 : vector<16xf32>
      %parallel_loop3A_356 = arith.index_cast %parallel_loop3A_276 : i32 to index
      %parallel_loop3A_357 = arith.constant 96 : index
      %parallel_loop3A_358 = tpu.vector_load %arg7[%parallel_loop3A_356, %parallel_loop3A_357] {strides = array<i32>} : memref<256x128xf32, #tpu.memory_space<vmem>>, vector<1x16xf32>,
      %parallel_loop3A_359 = vector.shape_cast %parallel_loop3A_358 : vector<1x16xf32> to vector<16xf32>
      %parallel_loop3A_360 = vector.shape_cast %parallel_loop3A_355 : vector<16xf32> to vector<1x16xf32>
      tpu.vector_store %arg7[%parallel_loop3A_356, %parallel_loop3A_357], %parallel_loop3A_360 {strides = array<i32>} : memref<256x128xf32, #tpu.memory_space<vmem>>, vector<1x16xf32>,
      %parallel_loop3A_361 = arith.index_cast %parallel_loop3A_276 : i32 to index
      %parallel_loop3A_362 = arith.constant 112 : index
      %parallel_loop3A_363 = tpu.vector_load %arg7[%parallel_loop3A_361, %parallel_loop3A_362] {strides = array<i32>} : memref<256x128xf32, #tpu.memory_space<vmem>>, vector<1x16xf32>,
      %parallel_loop3A_364 = vector.shape_cast %parallel_loop3A_363 : vector<1x16xf32> to vector<16xf32>
      %parallel_loop3A_365 = arith.constant 11.3137083 : f32
      %parallel_loop3A_366 = vector.broadcast %parallel_loop3A_365 : f32 to vector<16xf32>
      %parallel_loop3A_367 = arith.mulf %parallel_loop3A_364, %parallel_loop3A_366 : vector<16xf32>
      %parallel_loop3A_368 = arith.index_cast %parallel_loop3A_276 : i32 to index
      %parallel_loop3A_369 = arith.constant 112 : index
      %parallel_loop3A_370 = tpu.vector_load %arg7[%parallel_loop3A_368, %parallel_loop3A_369] {strides = array<i32>} : memref<256x128xf32, #tpu.memory_space<vmem>>, vector<1x16xf32>,
      %parallel_loop3A_371 = vector.shape_cast %parallel_loop3A_370 : vector<1x16xf32> to vector<16xf32>
      %parallel_loop3A_372 = vector.shape_cast %parallel_loop3A_367 : vector<16xf32> to vector<1x16xf32>
      tpu.vector_store %arg7[%parallel_loop3A_368, %parallel_loop3A_369], %parallel_loop3A_372 {strides = array<i32>} : memref<256x128xf32, #tpu.memory_space<vmem>>, vector<1x16xf32>,
    } {sc.loop_unroll_factor = 2 : i64, sc.parallel_access}
    %add3A_159 = arith.constant 128 : i32
    %add3A_160 = arith.addi %mul3A_20, %add3A_159 : i32
    %dma_start3A_161 = arith.constant 128 : i32
    %dma_start3A_162 = arith.constant 0 : i32
    %dma_start3A_163 = tpu.memref_slice %arg7[%dma_start3A_161, %dma_start3A_162] : memref<256x128xf32, #tpu.memory_space<vmem>> -> memref<64x128xf32, #tpu.memory_space<vmem>>
    %dma_start3A_164 = arith.constant 0 : i32
    %dma_start3A_165 = arith.constant 0 : i32
    %dma_start3A_166 = tpu.memref_slice %arg5[%select_n3A, %dma_start3A_164, %dma_start3A_165] : memref<4x2048x128xf32, #tpu.memory_space<hbm>> -> memref<1x2048x128xf32, #tpu.memory_space<hbm>>
    %dma_start3A_167 = tpu.memref_squeeze %dma_start3A_166 : memref<1x2048x128xf32, #tpu.memory_space<hbm>> -> memref<2048x128xf32, #tpu.memory_space<hbm>>
    %dma_start3A_168 = arith.constant 0 : i32
    %dma_start3A_169 = tpu.memref_slice %dma_start3A_167[%add3A_160, %dma_start3A_168] : memref<2048x128xf32, #tpu.memory_space<hbm>> -> memref<64x128xf32, #tpu.memory_space<hbm>>
    %dma_start3A_170 = arith.constant 0 : i32
    %dma_start3A_171 = arith.constant 0 : i32
    %dma_start3A_172 = tpu.memref_slice %arg5[%select_n3A, %dma_start3A_170, %dma_start3A_171] : memref<4x2048x128xf32, #tpu.memory_space<hbm>> -> memref<1x2048x128xf32, #tpu.memory_space<hbm>>
    %dma_start3A_173 = tpu.memref_squeeze %dma_start3A_172 : memref<1x2048x128xf32, #tpu.memory_space<hbm>> -> memref<2048x128xf32, #tpu.memory_space<hbm>>
    %dma_start3A_174 = arith.constant 0 : i32
    %dma_start3A_175 = tpu.memref_slice %dma_start3A_173[%add3A_160, %dma_start3A_174] : memref<2048x128xf32, #tpu.memory_space<hbm>> -> memref<64x128xf32, #tpu.memory_space<hbm>>
    %dma_start3A_176 = arith.constant 128 : i32
    %dma_start3A_177 = arith.constant 0 : i32
    %dma_start3A_178 = tpu.memref_slice %arg7[%dma_start3A_176, %dma_start3A_177] : memref<256x128xf32, #tpu.memory_space<vmem>> -> memref<64x128xf32, #tpu.memory_space<vmem>>
    tpu.enqueue_dma source(%dma_start3A_178 : memref<64x128xf32, #tpu.memory_space<vmem>>) target(%dma_start3A_175 : memref<64x128xf32, #tpu.memory_space<hbm>>) target_semaphore(%arg13 : memref<!tpu.dma_semaphore, #tpu.memory_space<semaphore_mem>>)
    %parallel_loop3A_179 = arith.constant 0 : i32
    %parallel_loop3A_180 = arith.constant 64 : i32
    %parallel_loop3A_181 = arith.constant 1 : i32
    scf.for %parallel_loop3A_274 = %parallel_loop3A_179 to %parallel_loop3A_180 step %parallel_loop3A_181  : i32 {
      %parallel_loop3A_275 = arith.constant 192 : i32
      %parallel_loop3A_276 = arith.addi %parallel_loop3A_275, %parallel_loop3A_274 : i32
      %parallel_loop3A_277 = arith.index_cast %parallel_loop3A_276 : i32 to index
      %parallel_loop3A_278 = arith.constant 0 : index
      %parallel_loop3A_279 = tpu.vector_load %arg7[%parallel_loop3A_277, %parallel_loop3A_278] {strides = array<i32>} : memref<256x128xf32, #tpu.memory_space<vmem>>, vector<1x16xf32>,
      %parallel_loop3A_280 = vector.shape_cast %parallel_loop3A_279 : vector<1x16xf32> to vector<16xf32>
      %parallel_loop3A_281 = arith.constant 11.3137083 : f32
      %parallel_loop3A_282 = vector.broadcast %parallel_loop3A_281 : f32 to vector<16xf32>
      %parallel_loop3A_283 = arith.mulf %parallel_loop3A_280, %parallel_loop3A_282 : vector<16xf32>
      %parallel_loop3A_284 = arith.index_cast %parallel_loop3A_276 : i32 to index
      %parallel_loop3A_285 = arith.constant 0 : index
      %parallel_loop3A_286 = tpu.vector_load %arg7[%parallel_loop3A_284, %parallel_loop3A_285] {strides = array<i32>} : memref<256x128xf32, #tpu.memory_space<vmem>>, vector<1x16xf32>,
      %parallel_loop3A_287 = vector.shape_cast %parallel_loop3A_286 : vector<1x16xf32> to vector<16xf32>
      %parallel_loop3A_288 = vector.shape_cast %parallel_loop3A_283 : vector<16xf32> to vector<1x16xf32>
      tpu.vector_store %arg7[%parallel_loop3A_284, %parallel_loop3A_285], %parallel_loop3A_288 {strides = array<i32>} : memref<256x128xf32, #tpu.memory_space<vmem>>, vector<1x16xf32>,
      %parallel_loop3A_289 = arith.index_cast %parallel_loop3A_276 : i32 to index
      %parallel_loop3A_290 = arith.constant 16 : index
      %parallel_loop3A_291 = tpu.vector_load %arg7[%parallel_loop3A_289, %parallel_loop3A_290] {strides = array<i32>} : memref<256x128xf32, #tpu.memory_space<vmem>>, vector<1x16xf32>,
      %parallel_loop3A_292 = vector.shape_cast %parallel_loop3A_291 : vector<1x16xf32> to vector<16xf32>
      %parallel_loop3A_293 = arith.constant 11.3137083 : f32
      %parallel_loop3A_294 = vector.broadcast %parallel_loop3A_293 : f32 to vector<16xf32>
      %parallel_loop3A_295 = arith.mulf %parallel_loop3A_292, %parallel_loop3A_294 : vector<16xf32>
      %parallel_loop3A_296 = arith.index_cast %parallel_loop3A_276 : i32 to index
      %parallel_loop3A_297 = arith.constant 16 : index
      %parallel_loop3A_298 = tpu.vector_load %arg7[%parallel_loop3A_296, %parallel_loop3A_297] {strides = array<i32>} : memref<256x128xf32, #tpu.memory_space<vmem>>, vector<1x16xf32>,
      %parallel_loop3A_299 = vector.shape_cast %parallel_loop3A_298 : vector<1x16xf32> to vector<16xf32>
      %parallel_loop3A_300 = vector.shape_cast %parallel_loop3A_295 : vector<16xf32> to vector<1x16xf32>
      tpu.vector_store %arg7[%parallel_loop3A_296, %parallel_loop3A_297], %parallel_loop3A_300 {strides = array<i32>} : memref<256x128xf32, #tpu.memory_space<vmem>>, vector<1x16xf32>,
      %parallel_loop3A_301 = arith.index_cast %parallel_loop3A_276 : i32 to index
      %parallel_loop3A_302 = arith.constant 32 : index
      %parallel_loop3A_303 = tpu.vector_load %arg7[%parallel_loop3A_301, %parallel_loop3A_302] {strides = array<i32>} : memref<256x128xf32, #tpu.memory_space<vmem>>, vector<1x16xf32>,
      %parallel_loop3A_304 = vector.shape_cast %parallel_loop3A_303 : vector<1x16xf32> to vector<16xf32>
      %parallel_loop3A_305 = arith.constant 11.3137083 : f32
      %parallel_loop3A_306 = vector.broadcast %parallel_loop3A_305 : f32 to vector<16xf32>
      %parallel_loop3A_307 = arith.mulf %parallel_loop3A_304, %parallel_loop3A_306 : vector<16xf32>
      %parallel_loop3A_308 = arith.index_cast %parallel_loop3A_276 : i32 to index
      %parallel_loop3A_309 = arith.constant 32 : index
      %parallel_loop3A_310 = tpu.vector_load %arg7[%parallel_loop3A_308, %parallel_loop3A_309] {strides = array<i32>} : memref<256x128xf32, #tpu.memory_space<vmem>>, vector<1x16xf32>,
      %parallel_loop3A_311 = vector.shape_cast %parallel_loop3A_310 : vector<1x16xf32> to vector<16xf32>
      %parallel_loop3A_312 = vector.shape_cast %parallel_loop3A_307 : vector<16xf32> to vector<1x16xf32>
      tpu.vector_store %arg7[%parallel_loop3A_308, %parallel_loop3A_309], %parallel_loop3A_312 {strides = array<i32>} : memref<256x128xf32, #tpu.memory_space<vmem>>, vector<1x16xf32>,
      %parallel_loop3A_313 = arith.index_cast %parallel_loop3A_276 : i32 to index
      %parallel_loop3A_314 = arith.constant 48 : index
      %parallel_loop3A_315 = tpu.vector_load %arg7[%parallel_loop3A_313, %parallel_loop3A_314] {strides = array<i32>} : memref<256x128xf32, #tpu.memory_space<vmem>>, vector<1x16xf32>,
      %parallel_loop3A_316 = vector.shape_cast %parallel_loop3A_315 : vector<1x16xf32> to vector<16xf32>
      %parallel_loop3A_317 = arith.constant 11.3137083 : f32
      %parallel_loop3A_318 = vector.broadcast %parallel_loop3A_317 : f32 to vector<16xf32>
      %parallel_loop3A_319 = arith.mulf %parallel_loop3A_316, %parallel_loop3A_318 : vector<16xf32>
      %parallel_loop3A_320 = arith.index_cast %parallel_loop3A_276 : i32 to index
      %parallel_loop3A_321 = arith.constant 48 : index
      %parallel_loop3A_322 = tpu.vector_load %arg7[%parallel_loop3A_320, %parallel_loop3A_321] {strides = array<i32>} : memref<256x128xf32, #tpu.memory_space<vmem>>, vector<1x16xf32>,
      %parallel_loop3A_323 = vector.shape_cast %parallel_loop3A_322 : vector<1x16xf32> to vector<16xf32>
      %parallel_loop3A_324 = vector.shape_cast %parallel_loop3A_319 : vector<16xf32> to vector<1x16xf32>
      tpu.vector_store %arg7[%parallel_loop3A_320, %parallel_loop3A_321], %parallel_loop3A_324 {strides = array<i32>} : memref<256x128xf32, #tpu.memory_space<vmem>>, vector<1x16xf32>,
      %parallel_loop3A_325 = arith.index_cast %parallel_loop3A_276 : i32 to index
      %parallel_loop3A_326 = arith.constant 64 : index
      %parallel_loop3A_327 = tpu.vector_load %arg7[%parallel_loop3A_325, %parallel_loop3A_326] {strides = array<i32>} : memref<256x128xf32, #tpu.memory_space<vmem>>, vector<1x16xf32>,
      %parallel_loop3A_328 = vector.shape_cast %parallel_loop3A_327 : vector<1x16xf32> to vector<16xf32>
      %parallel_loop3A_329 = arith.constant 11.3137083 : f32
      %parallel_loop3A_330 = vector.broadcast %parallel_loop3A_329 : f32 to vector<16xf32>
      %parallel_loop3A_331 = arith.mulf %parallel_loop3A_328, %parallel_loop3A_330 : vector<16xf32>
      %parallel_loop3A_332 = arith.index_cast %parallel_loop3A_276 : i32 to index
      %parallel_loop3A_333 = arith.constant 64 : index
      %parallel_loop3A_334 = tpu.vector_load %arg7[%parallel_loop3A_332, %parallel_loop3A_333] {strides = array<i32>} : memref<256x128xf32, #tpu.memory_space<vmem>>, vector<1x16xf32>,
      %parallel_loop3A_335 = vector.shape_cast %parallel_loop3A_334 : vector<1x16xf32> to vector<16xf32>
      %parallel_loop3A_336 = vector.shape_cast %parallel_loop3A_331 : vector<16xf32> to vector<1x16xf32>
      tpu.vector_store %arg7[%parallel_loop3A_332, %parallel_loop3A_333], %parallel_loop3A_336 {strides = array<i32>} : memref<256x128xf32, #tpu.memory_space<vmem>>, vector<1x16xf32>,
      %parallel_loop3A_337 = arith.index_cast %parallel_loop3A_276 : i32 to index
      %parallel_loop3A_338 = arith.constant 80 : index
      %parallel_loop3A_339 = tpu.vector_load %arg7[%parallel_loop3A_337, %parallel_loop3A_338] {strides = array<i32>} : memref<256x128xf32, #tpu.memory_space<vmem>>, vector<1x16xf32>,
      %parallel_loop3A_340 = vector.shape_cast %parallel_loop3A_339 : vector<1x16xf32> to vector<16xf32>
      %parallel_loop3A_341 = arith.constant 11.3137083 : f32
      %parallel_loop3A_342 = vector.broadcast %parallel_loop3A_341 : f32 to vector<16xf32>
      %parallel_loop3A_343 = arith.mulf %parallel_loop3A_340, %parallel_loop3A_342 : vector<16xf32>
      %parallel_loop3A_344 = arith.index_cast %parallel_loop3A_276 : i32 to index
      %parallel_loop3A_345 = arith.constant 80 : index
      %parallel_loop3A_346 = tpu.vector_load %arg7[%parallel_loop3A_344, %parallel_loop3A_345] {strides = array<i32>} : memref<256x128xf32, #tpu.memory_space<vmem>>, vector<1x16xf32>,
      %parallel_loop3A_347 = vector.shape_cast %parallel_loop3A_346 : vector<1x16xf32> to vector<16xf32>
      %parallel_loop3A_348 = vector.shape_cast %parallel_loop3A_343 : vector<16xf32> to vector<1x16xf32>
      tpu.vector_store %arg7[%parallel_loop3A_344, %parallel_loop3A_345], %parallel_loop3A_348 {strides = array<i32>} : memref<256x128xf32, #tpu.memory_space<vmem>>, vector<1x16xf32>,
      %parallel_loop3A_349 = arith.index_cast %parallel_loop3A_276 : i32 to index
      %parallel_loop3A_350 = arith.constant 96 : index
      %parallel_loop3A_351 = tpu.vector_load %arg7[%parallel_loop3A_349, %parallel_loop3A_350] {strides = array<i32>} : memref<256x128xf32, #tpu.memory_space<vmem>>, vector<1x16xf32>,
      %parallel_loop3A_352 = vector.shape_cast %parallel_loop3A_351 : vector<1x16xf32> to vector<16xf32>
      %parallel_loop3A_353 = arith.constant 11.3137083 : f32
      %parallel_loop3A_354 = vector.broadcast %parallel_loop3A_353 : f32 to vector<16xf32>
      %parallel_loop3A_355 = arith.mulf %parallel_loop3A_352, %parallel_loop3A_354 : vector<16xf32>
      %parallel_loop3A_356 = arith.index_cast %parallel_loop3A_276 : i32 to index
      %parallel_loop3A_357 = arith.constant 96 : index
      %parallel_loop3A_358 = tpu.vector_load %arg7[%parallel_loop3A_356, %parallel_loop3A_357] {strides = array<i32>} : memref<256x128xf32, #tpu.memory_space<vmem>>, vector<1x16xf32>,
      %parallel_loop3A_359 = vector.shape_cast %parallel_loop3A_358 : vector<1x16xf32> to vector<16xf32>
      %parallel_loop3A_360 = vector.shape_cast %parallel_loop3A_355 : vector<16xf32> to vector<1x16xf32>
      tpu.vector_store %arg7[%parallel_loop3A_356, %parallel_loop3A_357], %parallel_loop3A_360 {strides = array<i32>} : memref<256x128xf32, #tpu.memory_space<vmem>>, vector<1x16xf32>,
      %parallel_loop3A_361 = arith.index_cast %parallel_loop3A_276 : i32 to index
      %parallel_loop3A_362 = arith.constant 112 : index
      %parallel_loop3A_363 = tpu.vector_load %arg7[%parallel_loop3A_361, %parallel_loop3A_362] {strides = array<i32>} : memref<256x128xf32, #tpu.memory_space<vmem>>, vector<1x16xf32>,
      %parallel_loop3A_364 = vector.shape_cast %parallel_loop3A_363 : vector<1x16xf32> to vector<16xf32>
      %parallel_loop3A_365 = arith.constant 11.3137083 : f32
      %parallel_loop3A_366 = vector.broadcast %parallel_loop3A_365 : f32 to vector<16xf32>
      %parallel_loop3A_367 = arith.mulf %parallel_loop3A_364, %parallel_loop3A_366 : vector<16xf32>
      %parallel_loop3A_368 = arith.index_cast %parallel_loop3A_276 : i32 to index
      %parallel_loop3A_369 = arith.constant 112 : index
      %parallel_loop3A_370 = tpu.vector_load %arg7[%parallel_loop3A_368, %parallel_loop3A_369] {strides = array<i32>} : memref<256x128xf32, #tpu.memory_space<vmem>>, vector<1x16xf32>,
      %parallel_loop3A_371 = vector.shape_cast %parallel_loop3A_370 : vector<1x16xf32> to vector<16xf32>
      %parallel_loop3A_372 = vector.shape_cast %parallel_loop3A_367 : vector<16xf32> to vector<1x16xf32>
      tpu.vector_store %arg7[%parallel_loop3A_368, %parallel_loop3A_369], %parallel_loop3A_372 {strides = array<i32>} : memref<256x128xf32, #tpu.memory_space<vmem>>, vector<1x16xf32>,
    } {sc.loop_unroll_factor = 2 : i64, sc.parallel_access}
    %add3A_182 = arith.constant 192 : i32
    %add3A_183 = arith.addi %mul3A_20, %add3A_182 : i32
    %dma_start3A_184 = arith.constant 192 : i32
    %dma_start3A_185 = arith.constant 0 : i32
    %dma_start3A_186 = tpu.memref_slice %arg7[%dma_start3A_184, %dma_start3A_185] : memref<256x128xf32, #tpu.memory_space<vmem>> -> memref<64x128xf32, #tpu.memory_space<vmem>>
    %dma_start3A_187 = arith.constant 0 : i32
    %dma_start3A_188 = arith.constant 0 : i32
    %dma_start3A_189 = tpu.memref_slice %arg5[%select_n3A, %dma_start3A_187, %dma_start3A_188] : memref<4x2048x128xf32, #tpu.memory_space<hbm>> -> memref<1x2048x128xf32, #tpu.memory_space<hbm>>
    %dma_start3A_190 = tpu.memref_squeeze %dma_start3A_189 : memref<1x2048x128xf32, #tpu.memory_space<hbm>> -> memref<2048x128xf32, #tpu.memory_space<hbm>>
    %dma_start3A_191 = arith.constant 0 : i32
    %dma_start3A_192 = tpu.memref_slice %dma_start3A_190[%add3A_183, %dma_start3A_191] : memref<2048x128xf32, #tpu.memory_space<hbm>> -> memref<64x128xf32, #tpu.memory_space<hbm>>
    %dma_start3A_193 = arith.constant 0 : i32
    %dma_start3A_194 = arith.constant 0 : i32
    %dma_start3A_195 = tpu.memref_slice %arg5[%select_n3A, %dma_start3A_193, %dma_start3A_194] : memref<4x2048x128xf32, #tpu.memory_space<hbm>> -> memref<1x2048x128xf32, #tpu.memory_space<hbm>>
    %dma_start3A_196 = tpu.memref_squeeze %dma_start3A_195 : memref<1x2048x128xf32, #tpu.memory_space<hbm>> -> memref<2048x128xf32, #tpu.memory_space<hbm>>
    %dma_start3A_197 = arith.constant 0 : i32
    %dma_start3A_198 = tpu.memref_slice %dma_start3A_196[%add3A_183, %dma_start3A_197] : memref<2048x128xf32, #tpu.memory_space<hbm>> -> memref<64x128xf32, #tpu.memory_space<hbm>>
    %dma_start3A_199 = arith.constant 192 : i32
    %dma_start3A_200 = arith.constant 0 : i32
    %dma_start3A_201 = tpu.memref_slice %arg7[%dma_start3A_199, %dma_start3A_200] : memref<256x128xf32, #tpu.memory_space<vmem>> -> memref<64x128xf32, #tpu.memory_space<vmem>>
    tpu.enqueue_dma source(%dma_start3A_201 : memref<64x128xf32, #tpu.memory_space<vmem>>) target(%dma_start3A_198 : memref<64x128xf32, #tpu.memory_space<hbm>>) target_semaphore(%arg13 : memref<!tpu.dma_semaphore, #tpu.memory_space<semaphore_mem>>)
    %dma_wait3A_202 = arith.constant 0 : i32
    %dma_wait3A_203 = arith.constant 0 : i32
    %dma_wait3A_204 = tpu.memref_slice %arg7[%dma_wait3A_202, %dma_wait3A_203] : memref<256x128xf32, #tpu.memory_space<vmem>> -> memref<64x128xf32, #tpu.memory_space<vmem>>
    %dma_wait3A_205 = arith.constant 0 : i32
    %dma_wait3A_206 = arith.constant 0 : i32
    %dma_wait3A_207 = tpu.memref_slice %arg5[%select_n3A, %dma_wait3A_205, %dma_wait3A_206] : memref<4x2048x128xf32, #tpu.memory_space<hbm>> -> memref<1x2048x128xf32, #tpu.memory_space<hbm>>
    %dma_wait3A_208 = tpu.memref_squeeze %dma_wait3A_207 : memref<1x2048x128xf32, #tpu.memory_space<hbm>> -> memref<2048x128xf32, #tpu.memory_space<hbm>>
    %dma_wait3A_209 = arith.constant 0 : i32
    %dma_wait3A_210 = tpu.memref_slice %dma_wait3A_208[%add3A_106, %dma_wait3A_209] : memref<2048x128xf32, #tpu.memory_space<hbm>> -> memref<64x128xf32, #tpu.memory_space<hbm>>
    %dma_wait3A_211 = arith.constant 0 : i32
    %dma_wait3A_212 = arith.constant 0 : i32
    %dma_wait3A_213 = tpu.memref_slice %arg5[%select_n3A, %dma_wait3A_211, %dma_wait3A_212] : memref<4x2048x128xf32, #tpu.memory_space<hbm>> -> memref<1x2048x128xf32, #tpu.memory_space<hbm>>
    %dma_wait3A_214 = tpu.memref_squeeze %dma_wait3A_213 : memref<1x2048x128xf32, #tpu.memory_space<hbm>> -> memref<2048x128xf32, #tpu.memory_space<hbm>>
    %dma_wait3A_215 = arith.constant 0 : i32
    %dma_wait3A_216 = tpu.memref_slice %dma_wait3A_214[%add3A_106, %dma_wait3A_215] : memref<2048x128xf32, #tpu.memory_space<hbm>> -> memref<64x128xf32, #tpu.memory_space<hbm>>
    %dma_wait3A_217 = arith.constant 0 : i32
    %dma_wait3A_218 = arith.constant 0 : i32
    %dma_wait3A_219 = tpu.memref_slice %arg7[%dma_wait3A_217, %dma_wait3A_218] : memref<256x128xf32, #tpu.memory_space<vmem>> -> memref<64x128xf32, #tpu.memory_space<vmem>>
    tpu.wait_dma2 semaphore(%arg13 : memref<!tpu.dma_semaphore, #tpu.memory_space<semaphore_mem>>) src(%dma_wait3A_219 : memref<64x128xf32, #tpu.memory_space<vmem>>) dst(%dma_wait3A_216 : memref<64x128xf32, #tpu.memory_space<hbm>>)
    %dma_wait3A_220 = arith.constant 64 : i32
    %dma_wait3A_221 = arith.constant 0 : i32
    %dma_wait3A_222 = tpu.memref_slice %arg7[%dma_wait3A_220, %dma_wait3A_221] : memref<256x128xf32, #tpu.memory_space<vmem>> -> memref<64x128xf32, #tpu.memory_space<vmem>>
    %dma_wait3A_223 = arith.constant 0 : i32
    %dma_wait3A_224 = arith.constant 0 : i32
    %dma_wait3A_225 = tpu.memref_slice %arg5[%select_n3A, %dma_wait3A_223, %dma_wait3A_224] : memref<4x2048x128xf32, #tpu.memory_space<hbm>> -> memref<1x2048x128xf32, #tpu.memory_space<hbm>>
    %dma_wait3A_226 = tpu.memref_squeeze %dma_wait3A_225 : memref<1x2048x128xf32, #tpu.memory_space<hbm>> -> memref<2048x128xf32, #tpu.memory_space<hbm>>
    %dma_wait3A_227 = arith.constant 0 : i32
    %dma_wait3A_228 = tpu.memref_slice %dma_wait3A_226[%add3A_129, %dma_wait3A_227] : memref<2048x128xf32, #tpu.memory_space<hbm>> -> memref<64x128xf32, #tpu.memory_space<hbm>>
    %dma_wait3A_229 = arith.constant 0 : i32
    %dma_wait3A_230 = arith.constant 0 : i32
    %dma_wait3A_231 = tpu.memref_slice %arg5[%select_n3A, %dma_wait3A_229, %dma_wait3A_230] : memref<4x2048x128xf32, #tpu.memory_space<hbm>> -> memref<1x2048x128xf32, #tpu.memory_space<hbm>>
    %dma_wait3A_232 = tpu.memref_squeeze %dma_wait3A_231 : memref<1x2048x128xf32, #tpu.memory_space<hbm>> -> memref<2048x128xf32, #tpu.memory_space<hbm>>
    %dma_wait3A_233 = arith.constant 0 : i32
    %dma_wait3A_234 = tpu.memref_slice %dma_wait3A_232[%add3A_129, %dma_wait3A_233] : memref<2048x128xf32, #tpu.memory_space<hbm>> -> memref<64x128xf32, #tpu.memory_space<hbm>>
    %dma_wait3A_235 = arith.constant 64 : i32
    %dma_wait3A_236 = arith.constant 0 : i32
    %dma_wait3A_237 = tpu.memref_slice %arg7[%dma_wait3A_235, %dma_wait3A_236] : memref<256x128xf32, #tpu.memory_space<vmem>> -> memref<64x128xf32, #tpu.memory_space<vmem>>
    tpu.wait_dma2 semaphore(%arg13 : memref<!tpu.dma_semaphore, #tpu.memory_space<semaphore_mem>>) src(%dma_wait3A_237 : memref<64x128xf32, #tpu.memory_space<vmem>>) dst(%dma_wait3A_234 : memref<64x128xf32, #tpu.memory_space<hbm>>)
    %dma_wait3A_238 = arith.constant 128 : i32
    %dma_wait3A_239 = arith.constant 0 : i32
    %dma_wait3A_240 = tpu.memref_slice %arg7[%dma_wait3A_238, %dma_wait3A_239] : memref<256x128xf32, #tpu.memory_space<vmem>> -> memref<64x128xf32, #tpu.memory_space<vmem>>
    %dma_wait3A_241 = arith.constant 0 : i32
    %dma_wait3A_242 = arith.constant 0 : i32
    %dma_wait3A_243 = tpu.memref_slice %arg5[%select_n3A, %dma_wait3A_241, %dma_wait3A_242] : memref<4x2048x128xf32, #tpu.memory_space<hbm>> -> memref<1x2048x128xf32, #tpu.memory_space<hbm>>
    %dma_wait3A_244 = tpu.memref_squeeze %dma_wait3A_243 : memref<1x2048x128xf32, #tpu.memory_space<hbm>> -> memref<2048x128xf32, #tpu.memory_space<hbm>>
    %dma_wait3A_245 = arith.constant 0 : i32
    %dma_wait3A_246 = tpu.memref_slice %dma_wait3A_244[%add3A_160, %dma_wait3A_245] : memref<2048x128xf32, #tpu.memory_space<hbm>> -> memref<64x128xf32, #tpu.memory_space<hbm>>
    %dma_wait3A_247 = arith.constant 0 : i32
    %dma_wait3A_248 = arith.constant 0 : i32
    %dma_wait3A_249 = tpu.memref_slice %arg5[%select_n3A, %dma_wait3A_247, %dma_wait3A_248] : memref<4x2048x128xf32, #tpu.memory_space<hbm>> -> memref<1x2048x128xf32, #tpu.memory_space<hbm>>
    %dma_wait3A_250 = tpu.memref_squeeze %dma_wait3A_249 : memref<1x2048x128xf32, #tpu.memory_space<hbm>> -> memref<2048x128xf32, #tpu.memory_space<hbm>>
    %dma_wait3A_251 = arith.constant 0 : i32
    %dma_wait3A_252 = tpu.memref_slice %dma_wait3A_250[%add3A_160, %dma_wait3A_251] : memref<2048x128xf32, #tpu.memory_space<hbm>> -> memref<64x128xf32, #tpu.memory_space<hbm>>
    %dma_wait3A_253 = arith.constant 128 : i32
    %dma_wait3A_254 = arith.constant 0 : i32
    %dma_wait3A_255 = tpu.memref_slice %arg7[%dma_wait3A_253, %dma_wait3A_254] : memref<256x128xf32, #tpu.memory_space<vmem>> -> memref<64x128xf32, #tpu.memory_space<vmem>>
    tpu.wait_dma2 semaphore(%arg13 : memref<!tpu.dma_semaphore, #tpu.memory_space<semaphore_mem>>) src(%dma_wait3A_255 : memref<64x128xf32, #tpu.memory_space<vmem>>) dst(%dma_wait3A_252 : memref<64x128xf32, #tpu.memory_space<hbm>>)
    %dma_wait3A_256 = arith.constant 192 : i32
    %dma_wait3A_257 = arith.constant 0 : i32
    %dma_wait3A_258 = tpu.memref_slice %arg7[%dma_wait3A_256, %dma_wait3A_257] : memref<256x128xf32, #tpu.memory_space<vmem>> -> memref<64x128xf32, #tpu.memory_space<vmem>>
    %dma_wait3A_259 = arith.constant 0 : i32
    %dma_wait3A_260 = arith.constant 0 : i32
    %dma_wait3A_261 = tpu.memref_slice %arg5[%select_n3A, %dma_wait3A_259, %dma_wait3A_260] : memref<4x2048x128xf32, #tpu.memory_space<hbm>> -> memref<1x2048x128xf32, #tpu.memory_space<hbm>>
    %dma_wait3A_262 = tpu.memref_squeeze %dma_wait3A_261 : memref<1x2048x128xf32, #tpu.memory_space<hbm>> -> memref<2048x128xf32, #tpu.memory_space<hbm>>
    %dma_wait3A_263 = arith.constant 0 : i32
    %dma_wait3A_264 = tpu.memref_slice %dma_wait3A_262[%add3A_183, %dma_wait3A_263] : memref<2048x128xf32, #tpu.memory_space<hbm>> -> memref<64x128xf32, #tpu.memory_space<hbm>>
    %dma_wait3A_265 = arith.constant 0 : i32
    %dma_wait3A_266 = arith.constant 0 : i32
    %dma_wait3A_267 = tpu.memref_slice %arg5[%select_n3A, %dma_wait3A_265, %dma_wait3A_266] : memref<4x2048x128xf32, #tpu.memory_space<hbm>> -> memref<1x2048x128xf32, #tpu.memory_space<hbm>>
    %dma_wait3A_268 = tpu.memref_squeeze %dma_wait3A_267 : memref<1x2048x128xf32, #tpu.memory_space<hbm>> -> memref<2048x128xf32, #tpu.memory_space<hbm>>
    %dma_wait3A_269 = arith.constant 0 : i32
    %dma_wait3A_270 = tpu.memref_slice %dma_wait3A_268[%add3A_183, %dma_wait3A_269] : memref<2048x128xf32, #tpu.memory_space<hbm>> -> memref<64x128xf32, #tpu.memory_space<hbm>>
    %dma_wait3A_271 = arith.constant 192 : i32
    %dma_wait3A_272 = arith.constant 0 : i32
    %dma_wait3A_273 = tpu.memref_slice %arg7[%dma_wait3A_271, %dma_wait3A_272] : memref<256x128xf32, #tpu.memory_space<vmem>> -> memref<64x128xf32, #tpu.memory_space<vmem>>
    tpu.wait_dma2 semaphore(%arg13 : memref<!tpu.dma_semaphore, #tpu.memory_space<semaphore_mem>>) src(%dma_wait3A_273 : memref<64x128xf32, #tpu.memory_space<vmem>>) dst(%dma_wait3A_270 : memref<64x128xf32, #tpu.memory_space<hbm>>)
    return
  }
}

</mosaic_0001>

<sc_bundles>
// kernel: kernel.3.cloned.1.call-start
scs
__scs_entry_jumppad:
0x0: {  	(pc) =	sbr.rel $0x88, $3  }
0x1: {  	(tag) =	ssettag $0x0;
	lr =	simm.s32 $0x1  }
0x2: {  	[smem:$0x3F9E] =	sst lr;
	_ =	strace $0xD0000000  }
0x3: {  	_ = 	snop  }
0x4: {  	_ = 	snop  }
0x5: {  	_ = 	snop  }
0x6: {  	_ = 	snop  }
0x7: {  	_ = 	snop  }
__scs_overlays_trampoline_lowered:
0x8: {  	[smem:$0x3FAD] =	sst s0  }
0x9: {  	[smem:$0x3FAE] =	sst s1  }
0xa: {  	[smem:$0x3FAF] =	sst s2  }
0xb: {  	[smem:$0x3FB0] =	sst s3  }
0xc: {  	[smem:$0x3FB1] =	sst s4  }
0xd: {  	[smem:$0x3FB2] =	sst s5  }
0xe: {  	[smem:$0x3FB3] =	sst s6  }
0xf: {  	[smem:$0x3FB4] =	sst s7  }
0x10: {  	[smem:$0x3FB5] =	sst s8  }
0x11: {  	[smem:$0x3FB6] =	sst s9;
	s0 =	simm.s32 @!p0 $0x0  }
0x12: {  	s1 =	sld [smem:$0x3F9C];
	s0 =	simm.s32 @p0 $0x1  }
0x13: {  	[smem:$0x3FB7] =	sst s0;
	s0 =	simm.s32 @!p1 $0x0  }
0x14: {  	s2 =	sld [smem:$0x3F9B];
	s0 =	simm.s32 @p1 $0x1  }
0x15: {  	[smem:$0x3FB8] =	sst s0;
	s0 =	simm.s32 @!p2 $0x0  }
0x16: {  	s3 =	sld [smem:$0x3FDB];
	s0 =	simm.s32 @p2 $0x1  }
0x17: {  	s4 =	simm.s32 $0x1BF5;
	[smem:$0x3FBA] =	sst s0  }
0x18: {  	s0 =	sld [smem:$0x3F9D];
	_ =	swait.ge [sflag:s4], $0x0  }
0x19: {  	s7 =	sld [smem:$0x3F9E]  }
0x1a: {  	s8 =	sadd.s32 $0xFFFFE003, lr  }
0x1b: {  	s9 =	sadd.s32 $0xFFFFFEF7, lr;
	s5 =	simm.s32 $0xFFFFFFFF;
	p2 =	slt.u32 s8, $0xFFFFF086  }
0x1c: {  	p1 =	slt.u32 s9, $0xF7A;
	s5 =	simm.s32 @!p2 $0x0  }
0x1d: {  	s5 =	simm.s32 @p1 $0x1;
	p0 =	seq.s32 s7, s2  }
0x1e: {  	s7 =	smul.u32 @!p0 $0xF7A, s2;
	p2 =	seq.s32 @!p0 s5, $0x0  }
0x1f: {  	s9 =	smul.u32 $0xF7A, s1;
	s8 =	simm.s32 @!p0 $0x1BF5;
	p2 =	por !p2, p0  }
0x20: {  	[sflag:s8] =	ssyncset.s32 @!p0 $0xFFFFF086;
	s6 =	sadd.s32 @!p0 s3, s7;
	s7 =	simm.s32 @!p0 $0x108  }
0x21: {  	s3 =	sadd.s32 s3, s9;
	s6 =	sadd.s32 @!p0 $0x88, s6;
	s7 =	simm.s32 @p2 $0x1082  }
0x22: {  	[simem:s7], [sflag:s8] =	dma.local @!p0 [hbm:s6], $0xF7A  }
0x23: {  	s9 =	sor.u32 $0xD0000000, s2;
	s6 =	simm.s32 $0x108;
	_ =	swait.ge @!p0 [sflag:s8], $0x0  }
0x24: {  	s3 =	sadd.s32 $0x88, s3;
	s6 =	simm.s32 @!p1 $0x1082;
	[sflag:s4] =	ssyncset.s32 $0xFFFFF086  }
0x25: {  	[simem:s6], [sflag:s4] =	dma.local [hbm:s3], $0xF7A  }
0x26: {  	[smem:$0x3F9E] =	sst s1;
	(tag) =	ssettag s2;
	_ =	strace s9  }
0x27: {  	s1 =	sld [smem:$0x3FAE]  }
0x28: {  	s2 =	sld [smem:$0x3FAF]  }
0x29: {  	s4 =	sld [smem:$0x3FB1]  }
0x2a: {  	p0 =	seq.s32 s5, $0x0;
	s5 =	sld [smem:$0x3FB2]  }
0x2b: {  	s6 =	sld [smem:$0x3FB3]  }
0x2c: {  	s7 =	sld [smem:$0x3FB4]  }
0x2d: {  	s3 =	simm.s32 $0x108;
	s8 =	sld [smem:$0x3FB5]  }
0x2e: {  	s3 =	simm.s32 @!p0 $0x1082;
	s9 =	sld [smem:$0x3FB6]  }
0x2f: {  	lr =	sadd.s32 s0, s3;
	s0 =	sld [smem:$0x3FAD]  }
0x30: {  	s3 =	sld [smem:$0x3FB0]  }
0x31: {  	[smem:$0x3FB9] =	sst s10  }
0x32: {  	s10 =	sld [smem:$0x3FB7];
	_ =	sdelay $0x3  }
0x33: {  	p0 =	seq.s32 s10, $0x1;
	s10 =	sld [smem:$0x3FB9];
	_ =	sdelay $0x3  }
0x34: {  	[smem:$0x3FB9] =	sst s10  }
0x35: {  	s10 =	sld [smem:$0x3FB8];
	_ =	sdelay $0x3  }
0x36: {  	p1 =	seq.s32 s10, $0x1;
	s10 =	sld [smem:$0x3FB9];
	_ =	sdelay $0x3  }
0x37: {  	[smem:$0x3FB9] =	sst s10  }
0x38: {  	s10 =	sld [smem:$0x3FBA]  }
0x39: {  	_ = 	snop;
	(pc) =	sbr.ind lr, $3  }
0x3a: {  	_ = 	snop  }
0x3b: {  	_ = 	snop  }
0x3c: {  	p2 =	seq.s32 s10, $0x1;
	s10 =	sld [smem:$0x3FB9]  }
0x3d: {  	_ =	shalt  }
0x3e: {  	_ =	shalt  }
0x3f: {  	_ =	shalt  }
0x40: {  	_ =	shalt  }
0x41: {  	_ =	shalt  }
0x42: {  	_ =	shalt  }
0x43: {  	_ =	shalt  }
0x44: {  	_ =	shalt  }
0x45: {  	_ =	shalt  }
0x46: {  	_ =	shalt  }
0x47: {  	_ =	shalt  }
0x48: {  	_ =	shalt  }
0x49: {  	_ =	shalt  }
0x4a: {  	_ =	shalt  }
0x4b: {  	_ =	shalt  }
0x4c: {  	_ =	shalt  }
0x4d: {  	_ =	shalt  }
0x4e: {  	_ =	shalt  }
0x4f: {  	_ =	shalt  }
0x50: {  	_ =	shalt  }
0x51: {  	_ =	shalt  }
0x52: {  	_ =	shalt  }
0x53: {  	_ =	shalt  }
0x54: {  	_ =	shalt  }
0x55: {  	_ =	shalt  }
0x56: {  	_ =	shalt  }
0x57: {  	_ =	shalt  }
0x58: {  	_ =	shalt  }
0x59: {  	_ =	shalt  }
0x5a: {  	_ =	shalt  }
0x5b: {  	_ =	shalt  }
0x5c: {  	_ =	shalt  }
0x5d: {  	_ =	shalt  }
0x5e: {  	_ =	shalt  }
0x5f: {  	_ =	shalt  }
0x60: {  	_ =	shalt  }
0x61: {  	_ =	shalt  }
0x62: {  	_ =	shalt  }
0x63: {  	_ =	shalt  }
0x64: {  	_ =	shalt  }
0x65: {  	_ =	shalt  }
0x66: {  	_ =	shalt  }
0x67: {  	_ =	shalt  }
0x68: {  	_ =	shalt  }
0x69: {  	_ =	shalt  }
0x6a: {  	_ =	shalt  }
0x6b: {  	_ =	shalt  }
0x6c: {  	_ =	shalt  }
0x6d: {  	_ =	shalt  }
0x6e: {  	_ =	shalt  }
0x6f: {  	_ =	shalt  }
0x70: {  	_ =	shalt  }
0x71: {  	_ =	shalt  }
0x72: {  	_ =	shalt  }
0x73: {  	_ =	shalt  }
0x74: {  	_ =	shalt  }
0x75: {  	_ =	shalt  }
0x76: {  	_ =	shalt  }
0x77: {  	_ =	shalt  }
0x78: {  	_ =	shalt  }
0x79: {  	_ =	shalt  }
0x7a: {  	_ =	shalt  }
0x7b: {  	_ =	shalt  }
0x7c: {  	_ =	shalt  }
0x7d: {  	_ =	shalt  }
0x7e: {  	_ =	shalt  }
0x7f: {  	_ =	shalt  }
0x80: {  	_ =	shalt  }
0x81: {  	_ =	shalt  }
0x82: {  	_ =	shalt  }
0x83: {  	_ =	shalt  }
0x84: {  	_ =	shalt  }
0x85: {  	_ =	shalt  }
0x86: {  	_ =	shalt  }
0x87: {  	_ =	shalt  }
.Lfunc_end0:
.L_simem_size_0:
called_computation_lowered:
.L_overlay_start_0:
0x88: {  	s2 =	sld [smem:$0x3FD9]  }
0x89: {  	s3 =	sld [smem:$0x3FFE];
	_ =	sdelay $0x1  }
0x8a: {  	s1 =	srdreg.scid  }
0x8b: {  	s0 =	sand.u32 $0x1, s1  }
0x8c: {  	s18 =	sshll.u32 s0, $0xA;
	s2 =	sadd.s32 s3, s2  }
0x8d: {  	s2 =	sadd.s32 s2, s18  }
0x8e: {  	[smem:$0x3FC5] =	sst s2  }
0x8f: {  	_ = 	snop  }
0x90: {  	s2 =	sld [smem:$0x3FC9]  }
0x91: {  	s19 =	sld [smem:$0x3FC8]  }
0x92: {  	s4 =	sld [smem:$0x3FC7]  }
0x93: {  	s5 =	sld [smem:$0x3FD0];
	(tm) =	ssettm $0x1  }
0x94: {  	s6 =	sld [smem:$0x3FFB];
	_ =	sdelay $0x3  }
0x95: {  	_ =	strace s6  }
0x96: {  	s6 =	sld [smem:$0x3FFC];
	_ =	sdelay $0x3  }
0x97: {  	_ =	strace s6  }
0x98: {  	s6 =	sld [smem:$0x3FFD];
	_ =	sdelay $0x3  }
0x99: {  	_ =	strace s6  }
0x9a: {  	_ =	strace $0x8FFFFFFF  }
0x9b: {  	s20 =	sld [smem:$0x3FDB];
	_ =	sdelay $0x1  }
0x9c: {  	s7 =	simm.s32 $_scs_section_size  }
0x9d: {  	s8 =	simm.s32 $_size__tile_overlayer_lowered;
	s9 =	simm.s32 $_tile_overlayer_lowered  }
0x9e: {  	s23 =	simm.s32 $0x1BFF;
	s22 =	sshll.u32 s9, $0x1;
	s6 =	sadd.s32 s7, s20  }
0x9f: {  	s10 =	simm.s32 $0x0;
	s21 =	sshll.u32 s8, $0x1;
	s8 =	sadd.s32 s22, s6  }
0xa0: {  	[timem:s10], [sflag:s23] =	dma.local [hbm:s8], s21  }
0xa1: {  	_ =	swait.ge [sflag:s23], s21  }
0xa2: {  	s7 =	ssub.s32 $0x0, s21;
	[sflag:s23] =	ssyncset.done $0x0  }
0xa3: {  	[sflag:s23] =	ssyncadd.s32 s7;
	_ =	sdelay $0x1  }
0xa4: {  	s24 =	simm.s32 $0x1B8B  }
0xa5: {  	_ =	swait.ge [sflag:s24], $0x1  }
0xa6: {  	[sflag:s24] =	ssyncset.done $0x0  }
0xa7: {  	s25 =	simm.s32 $0x1B8E;
	[sflag:s24] =	ssyncadd.s32 $0xFFFFFFFF  }
0xa8: {  	s26 =	simm.s32 $execute0_lowered;
	[smem:$0x3FD2] =	sst s25  }
0xa9: {  	s7 =	sshll.u32 s26, $0x1;
	_ =	strace $0x80000046;
	[dreg:$0x1] =	wrdreg $0xFFFFFFFF  }
0xaa: {  	s28 =	simm.s32 $_size_execute0_lowered;
	s6 =	sadd.s32 s6, s7;
	[dreg:$0x0] =	wrdreg $0x0  }
0xab: {  	s7 =	sshll.u32 s28, $0x1;
	[dreg:$0x2] =	wrdreg s6  }
0xac: {  	[dreg:$0x3] =	wrdreg s7  }
0xad: {  	[dreg:$0x4] =	wrdreg $0xC0  }
0xae: {  	_ =	task [dreg:s10], $0x5FFFF  }
0xaf: {  	[dreg:$0x1] =	wrdreg $0xFFFFFFFF  }
0xb0: {  	[dreg:$0x0] =	wrdreg $0x60  }
0xb1: {  	[dreg:$0x2] =	wrdreg s2  }
0xb2: {  	[dreg:$0x3] =	wrdreg s19  }
0xb3: {  	[dreg:$0x4] =	wrdreg s4  }
0xb4: {  	[dreg:$0x5] =	wrdreg s5  }
0xb5: {  	[dreg:$0x6] =	wrdreg $0x9  }
0xb6: {  	_ =	task.clear_ibuf [dreg:s10], $0x7FFFF;
	_ =	strace $0x90000046  }
0xb7: {  	s29 =	simm.s32 $0x9;
	_ =	strace $0x80000048  }
0xb8: {  	_ =	swait.ge [sflag:s29], $0x1  }
0xb9: {  	[sflag:s29] =	ssyncadd.s32 $0xFFFFFFFF  }
0xba: {  	_ =	strace $0x90000048  }
0xbb: {  	_ =	sfence  }
0xbc: {  	s30 =	sld [smem:$0x0];
	_ =	sdelay $0x2  }
0xbd: {  	s31 =	sshll.u32 s1, $0xD;
	s1 =	sshrl.u32 s1, $0x2  }
0xbe: {  	s3 =	sand.u32 $0x4000, s31;
	s1 =	sadd.s32 s1, s30  }
0xbf: {  	s0 =	sor.u32 s3, s0;
	s1 =	sshll.u32 s1, $0x11  }
0xc0: {  	s0 =	sor.u32 s1, s0  }
0xc1: {  	s0 =	sadd.s32 $0x8F2B, s0  }
0xc2: {  	[sflag:s0] =	ssyncadd.remote.s32 $0x1  }
0xc3: {  	_ =	sfence.sel $0xFFFF  }
0xc4: {  	[dreg:$0x0] =	wrdreg $0xFFFFFFFF;
	(pc) =	sbr.abs _section_cstart, $3  }
0xc5: {  	[dreg:$0x1] =	wrdreg $0xFFFFFFFF  }
0xc6: {  	_ =	task.clear_ibuf [dreg:s10], $0x2FFFF;
	_ =	strace $0x9FFFFFFF  }
0xc7: {  	(tm) =	ssettm $0x7FFFFFFF  }
tec
execute0_lowered:
.L_overlay_start_1:
0x0: {  	(tag) =	ssettag $0x1  }
0x1: {  	s4 =	rddreg [dreg:$0x0]  }
0x2: {  	s1 =	rddreg [dreg:$0x1]  }
0x3: {  	s7 =	rddreg [dreg:$0x2]  }
0x4: {  	s8 =	rddreg [dreg:$0x3]  }
0x5: {  	s0 =	rddreg [dreg:$0x4]  }
0x6: {  	s3 =	simm.s32 $0x0;
	s2 =	stileid.u32;
	s5 =	srdreg.scid  }
0x7: {  	s12 =	simm.s32 $0x100;
	s13 =	simm.s32 $0x4100;
	s14 =	simm.s32 $0x1  }
0x8: {  	s15 =	simm.s32 $0x2;
	s16 =	simm.s32 $0x3;
	s17 =	simm.s32 $0x4  }
0x9: {  	s20 =	simm.s32 $0x2100;
	s21 =	simm.s32 $0x5;
	s23 =	simm.s32 $0x6100  }
0xa: {  	s24 =	simm.s32 $0x6;
	s25 =	simm.s32 $0x0;
	[smem:$0x7FF] =	sst s3  }
0xb: {  	s6 =	sshll.u32 s2, $0x1;
	s5 =	sand.u32 $0x1, s5;
	s9 =	sshrl.u32 s2, $0x2  }
0xc: {  	_ =	strace $0x80000047;
	s6 =	sand.u32 $0x6, s6;
	s10 =	ssub.s32 $0x2, s5  }
0xd: {  	s30 =	sshll.u32 s9, $0x4;
	s9 =	sshll.u32 s9, $0xF;
	s5 =	sor.u32 s5, s6  }
0xe: {  	s11 =	sshrl.u32 s10, $0x1;
	s4 =	sadd.s32 s4, s30;
	s8 =	sadd.s32 s8, s9  }
0xf: {  	s31 =	sshll.u32 s5, $0x7;
	s10 =	ssub.s32 s10, s11;
	s18 =	sshll.u32 s5, $0xC  }
0x10: {  	s11 =	simm.s32 $0x200;
	s4 =	sadd.s32 s31, s4;
	s5 =	sadd.s32 s7, s18  }
0x11: {  	s6 =	sor.u32 $0x800, s18;
	s19 =	sor.u32 $0x400, s18;
	s22 =	sor.u32 $0xC00, s18  }
0x12: {  	s9 =	smax.u32 s10, $0x1;
	s10 =	simm.s32 $0x80;
	s18 =	sadd.s32 s18, s8  }
0x13: {  	s7 =	sadd.s32 s7, s6;
	s19 =	sadd.s32 s8, s19;
	s22 =	sadd.s32 s8, s22  }
.LBB2_1:
0x14: {  	[tilespmem:s3], [sflag:$0x1] =	stream.strided.gather [hbm4b:s4+s10], $0x100, s11, s10, $0x38;
	[tilespmem:$0x8100] =	vst v63  }
0x15: {  	_ = 	snop  }
0x16: {  	[tilespmem:s12], [sflag:$0x2] =	stream.linear.gather [hbm4b:s5+s3], $0x4000, $0x38;
	[tilespmem:$0x8100] =	vst v63  }
0x17: {  	_ = 	snop  }
0x18: {  	[tilespmem:s13], [sflag:$0x3] =	stream.linear.gather [hbm4b:s7+s3], $0x4000, $0x38;
	[tilespmem:$0x8100] =	vst v63  }
0x19: {  	_ =	swait.ge [sflag:s14], $0x100  }
0x1a: {  	[sflag:s14] =	ssyncset.done $0x0  }
0x1b: {  	[sflag:s14] =	ssyncadd.s32 $0xFFFFFF00  }
0x1c: {  	_ =	swait.ge [sflag:s15], $0x4000  }
0x1d: {  	[sflag:s15] =	ssyncset.done $0x0  }
0x1e: {  	[sflag:s15] =	ssyncadd.s32 $0xFFFFC000  }
0x1f: {  	[tilespmem:s12], [sflag:$0x4] =	stream.indirect.gather.add.f32 [hbm:s1], $0x80, s3, s10, $0xb8;
	[tilespmem:$0x8100] =	vst v63  }
0x20: {  	_ =	swait.ge [sflag:s16], $0x4000  }
0x21: {  	[sflag:s16] =	ssyncset.done $0x0  }
0x22: {  	[sflag:s16] =	ssyncadd.s32 $0xFFFFC000  }
0x23: {  	[tilespmem:s13], [sflag:$0x5] =	stream.indirect.gather.add.f32 [hbm:s1], $0x80, s10, s10, $0xb8;
	[tilespmem:$0x8100] =	vst v63  }
0x24: {  	_ =	swait.ge [sflag:s17], $0x4000  }
0x25: {  	[sflag:s17] =	ssyncset.done $0x0  }
0x26: {  	s26 =	simm.s32 $0x180;
	[sflag:s17] =	ssyncadd.s32 $0xFFFFC000  }
0x27: {  	v0 =	vld [tilespmem:s26+$0x70]  }
0x28: {  	v1 =	vld [tilespmem:s26+$0xFFFFFF90]  }
0x29: {  	v2 =	vld [tilespmem:s26+$0xFFFFFFA0]  }
0x2a: {  	v3 =	vld [tilespmem:s26+$0xFFFFFFB0]  }
0x2b: {  	v4 =	vld [tilespmem:s26+$0xFFFFFFC0]  }
0x2c: {  	v5 =	vld [tilespmem:s26+$0xFFFFFFD0];
	v0 =	vmul.f32 $1.131370830e+01, v0  }
0x2d: {  	v6 =	vld [tilespmem:s26+$0xFFFFFFE0];
	v1 =	vmul.f32 $1.131370830e+01, v1  }
0x2e: {  	v7 =	vld [tilespmem:s26+$0xFFFFFFF0];
	v2 =	vmul.f32 $1.131370830e+01, v2;
	[tilespmem:s26+$0x70] =	vst v0  }
0x2f: {  	[tilespmem:s26+$0xFFFFFF90] =	vst v1;
	v0 =	vmul.f32 $1.131370830e+01, v3;
	v3 =	vld [tilespmem:s26+$0x0]  }
0x30: {  	[tilespmem:s26+$0xFFFFFFA0] =	vst v2;
	v1 =	vmul.f32 $1.131370830e+01, v4;
	v4 =	vld [tilespmem:s26+$0x10]  }
0x31: {  	v8 =	vld [tilespmem:s26+$0x20];
	v2 =	vmul.f32 $1.131370830e+01, v5;
	[tilespmem:s26+$0xFFFFFFB0] =	vst v0  }
0x32: {  	v5 =	vmul.f32 $1.131370830e+01, v6;
	[tilespmem:s26+$0xFFFFFFC0] =	vst v1;
	v0 =	vld [tilespmem:s26+$0x30]  }
0x33: {  	v6 =	vmul.f32 $1.131370830e+01, v7;
	[tilespmem:s26+$0xFFFFFFD0] =	vst v2;
	v1 =	vld [tilespmem:s26+$0x40]  }
0x34: {  	[tilespmem:s26+$0xFFFFFFE0] =	vst v5;
	v2 =	vld [tilespmem:s26+$0x50];
	v7 =	vmul.f32 $1.131370830e+01, v3  }
0x35: {  	[tilespmem:s26+$0xFFFFFFF0] =	vst v6;
	v3 =	vld [tilespmem:s26+$0x60];
	v5 =	vmul.f32 $1.131370830e+01, v4  }
0x36: {  	s28 =	simm.s32 $0x0;
	s29 =	simm.s32 $0x280;
	v6 =	vmul.f32 $1.131370830e+01, v8;
	v4 =	vld [tilespmem:s26+$0xFFFFFF80];
	[tilespmem:s26+$0x0] =	vst v7  }
.LBB2_2:
0x37: {  	v7 =	vld [tilespmem:s29+$0x70];
	s28 =	sadd.s32 $0x2, s28;
	[tilespmem:s26+$0x10] =	vst v5;
	v0 =	vmul.f32 $1.131370830e+01, v0  }
0x38: {  	v5 =	vld [tilespmem:s29+$0xFFFFFF90];
	p0 =	slt.u32 s28, $0x3E;
	[tilespmem:s26+$0x20] =	vst v6;
	v1 =	vmul.f32 $1.131370830e+01, v1  }
0x39: {  	v6 =	vld [tilespmem:s29+$0xFFFFFFA0];
	[tilespmem:s26+$0x30] =	vst v0;
	v0 =	vmul.f32 $1.131370830e+01, v2  }
0x3a: {  	v2 =	vld [tilespmem:s29+$0xFFFFFFB0];
	[tilespmem:s26+$0x40] =	vst v1;
	v1 =	vmul.f32 $1.131370830e+01, v3  }
0x3b: {  	v3 =	vld [tilespmem:s29+$0xFFFFFFC0];
	v4 =	vmul.f32 $1.131370830e+01, v4;
	[tilespmem:s26+$0x50] =	vst v0  }
0x3c: {  	v0 =	vld [tilespmem:s29+$0xFFFFFFD0];
	v7 =	vmul.f32 $1.131370830e+01, v7;
	[tilespmem:s26+$0x60] =	vst v1  }
0x3d: {  	v1 =	vmul.f32 $1.131370830e+01, v5;
	v5 =	vld [tilespmem:s29+$0xFFFFFFE0];
	[tilespmem:s26+$0xFFFFFF80] =	vst v4;
	s26 =	smov.u32 s29  }
0x3e: {  	v4 =	vmul.f32 $1.131370830e+01, v6;
	v6 =	vld [tilespmem:s29+$0xFFFFFFF0];
	[tilespmem:s29+$0x70] =	vst v7  }
0x3f: {  	[tilespmem:s29+$0xFFFFFF90] =	vst v1;
	v1 =	vmul.f32 $1.131370830e+01, v2;
	v2 =	vld [tilespmem:s29+$0x0]  }
0x40: {  	[tilespmem:s29+$0xFFFFFFA0] =	vst v4;
	v3 =	vmul.f32 $1.131370830e+01, v3;
	v4 =	vld [tilespmem:s29+$0x10]  }
0x41: {  	[tilespmem:s29+$0xFFFFFFB0] =	vst v1;
	v1 =	vmul.f32 $1.131370830e+01, v0;
	v7 =	vld [tilespmem:s29+$0x20]  }
.Ltmp0:
0x42: {  	[tilespmem:s29+$0xFFFFFFC0] =	vst v3;
	v3 =	vmul.f32 $1.131370830e+01, v5;
	v0 =	vld [tilespmem:s29+$0x30];
	(pc) =	sbr.rel @p0 .LBB2_2-.Ltmp0, $4  }
0x43: {  	[tilespmem:s29+$0xFFFFFFD0] =	vst v1;
	v5 =	vmul.f32 $1.131370830e+01, v6;
	v1 =	vld [tilespmem:s29+$0x40]  }
0x44: {  	[tilespmem:s29+$0xFFFFFFE0] =	vst v3;
	v6 =	vmul.f32 $1.131370830e+01, v2;
	v2 =	vld [tilespmem:s29+$0x50]  }
0x45: {  	[tilespmem:s29+$0xFFFFFFF0] =	vst v5;
	v5 =	vmul.f32 $1.131370830e+01, v4;
	v3 =	vld [tilespmem:s29+$0x60]  }
0x46: {  	s29 =	sadd.s32 $0x100, s29;
	v4 =	vld [tilespmem:s26+$0xFFFFFF80];
	[tilespmem:s26+$0x0] =	vst v6;
	v6 =	vmul.f32 $1.131370830e+01, v7  }
0x47: {  	[tilespmem:s26+$0x10] =	vst v5;
	v0 =	vmul.f32 $1.131370830e+01, v0  }
0x48: {  	[tilespmem:s26+$0x20] =	vst v6;
	v1 =	vmul.f32 $1.131370830e+01, v1  }
0x49: {  	[tilespmem:s26+$0x30] =	vst v0;
	v0 =	vmul.f32 $1.131370830e+01, v2  }
0x4a: {  	[tilespmem:s26+$0x40] =	vst v1;
	v1 =	vmul.f32 $1.131370830e+01, v3  }
0x4b: {  	v2 =	vmul.f32 $1.131370830e+01, v4;
	[tilespmem:s26+$0x50] =	vst v0  }
0x4c: {  	[tilespmem:s26+$0x60] =	vst v1  }
0x4d: {  	[tilespmem:s26+$0xFFFFFF80] =	vst v2;
	s26 =	simm.s32 $0x21F0  }
0x4e: {  	[hbm4b:s18+s3] =	stream.linear.scatter [tilespmem:s12], [sflag:$0x6], $0x2000, $0x38;
	[tilespmem:$0x8100] =	vst v63  }
0x4f: {  	v0 =	vld [tilespmem:s26+$0x0]  }
0x50: {  	v1 =	vld [tilespmem:s26+$0xFFFFFF20]  }
0x51: {  	v2 =	vld [tilespmem:s26+$0xFFFFFF30]  }
0x52: {  	v3 =	vld [tilespmem:s26+$0xFFFFFF40]  }
0x53: {  	v4 =	vld [tilespmem:s26+$0xFFFFFF50]  }
0x54: {  	v5 =	vld [tilespmem:s26+$0xFFFFFF60];
	v0 =	vmul.f32 $1.131370830e+01, v0  }
0x55: {  	v6 =	vld [tilespmem:s26+$0xFFFFFF70];
	v1 =	vmul.f32 $1.131370830e+01, v1  }
0x56: {  	v7 =	vld [tilespmem:s26+$0xFFFFFF80];
	v2 =	vmul.f32 $1.131370830e+01, v2;
	[tilespmem:s26+$0x0] =	vst v0  }
0x57: {  	[tilespmem:s26+$0xFFFFFF20] =	vst v1;
	v0 =	vmul.f32 $1.131370830e+01, v3;
	v3 =	vld [tilespmem:s26+$0xFFFFFF90]  }
0x58: {  	[tilespmem:s26+$0xFFFFFF30] =	vst v2;
	v1 =	vmul.f32 $1.131370830e+01, v4;
	v4 =	vld [tilespmem:s26+$0xFFFFFFA0]  }
0x59: {  	v8 =	vld [tilespmem:s26+$0xFFFFFFB0];
	v2 =	vmul.f32 $1.131370830e+01, v5;
	[tilespmem:s26+$0xFFFFFF40] =	vst v0  }
0x5a: {  	v5 =	vmul.f32 $1.131370830e+01, v6;
	[tilespmem:s26+$0xFFFFFF50] =	vst v1;
	v0 =	vld [tilespmem:s26+$0xFFFFFFC0]  }
0x5b: {  	v6 =	vmul.f32 $1.131370830e+01, v7;
	[tilespmem:s26+$0xFFFFFF60] =	vst v2;
	v1 =	vld [tilespmem:s26+$0xFFFFFFD0]  }
0x5c: {  	[tilespmem:s26+$0xFFFFFF70] =	vst v5;
	v2 =	vld [tilespmem:s26+$0xFFFFFFE0];
	v7 =	vmul.f32 $1.131370830e+01, v3  }
0x5d: {  	[tilespmem:s26+$0xFFFFFF80] =	vst v6;
	v3 =	vld [tilespmem:s26+$0xFFFFFFF0];
	v5 =	vmul.f32 $1.131370830e+01, v4  }
0x5e: {  	s28 =	simm.s32 $0x0;
	s29 =	simm.s32 $0x22F0;
	v6 =	vmul.f32 $1.131370830e+01, v8;
	v4 =	vld [tilespmem:s26+$0xFFFFFF10];
	[tilespmem:s26+$0xFFFFFF90] =	vst v7  }
.LBB2_4:
0x5f: {  	v7 =	vld [tilespmem:s29+$0x0];
	s28 =	sadd.s32 $0x2, s28;
	[tilespmem:s26+$0xFFFFFFA0] =	vst v5;
	v0 =	vmul.f32 $1.131370830e+01, v0  }
0x60: {  	v5 =	vld [tilespmem:s29+$0xFFFFFF20];
	p0 =	slt.u32 s28, $0x3E;
	[tilespmem:s26+$0xFFFFFFB0] =	vst v6;
	v1 =	vmul.f32 $1.131370830e+01, v1  }
0x61: {  	v6 =	vld [tilespmem:s29+$0xFFFFFF30];
	[tilespmem:s26+$0xFFFFFFC0] =	vst v0;
	v0 =	vmul.f32 $1.131370830e+01, v2  }
0x62: {  	v2 =	vld [tilespmem:s29+$0xFFFFFF40];
	[tilespmem:s26+$0xFFFFFFD0] =	vst v1;
	v1 =	vmul.f32 $1.131370830e+01, v3  }
0x63: {  	v3 =	vld [tilespmem:s29+$0xFFFFFF50];
	v4 =	vmul.f32 $1.131370830e+01, v4;
	[tilespmem:s26+$0xFFFFFFE0] =	vst v0  }
0x64: {  	v0 =	vld [tilespmem:s29+$0xFFFFFF60];
	v7 =	vmul.f32 $1.131370830e+01, v7;
	[tilespmem:s26+$0xFFFFFFF0] =	vst v1  }
0x65: {  	v1 =	vmul.f32 $1.131370830e+01, v5;
	v5 =	vld [tilespmem:s29+$0xFFFFFF70];
	[tilespmem:s26+$0xFFFFFF10] =	vst v4;
	s26 =	smov.u32 s29  }
0x66: {  	v4 =	vmul.f32 $1.131370830e+01, v6;
	v6 =	vld [tilespmem:s29+$0xFFFFFF80];
	[tilespmem:s29+$0x0] =	vst v7  }
0x67: {  	[tilespmem:s29+$0xFFFFFF20] =	vst v1;
	v1 =	vmul.f32 $1.131370830e+01, v2;
	v2 =	vld [tilespmem:s29+$0xFFFFFF90]  }
0x68: {  	[tilespmem:s29+$0xFFFFFF30] =	vst v4;
	v3 =	vmul.f32 $1.131370830e+01, v3;
	v4 =	vld [tilespmem:s29+$0xFFFFFFA0]  }
0x69: {  	[tilespmem:s29+$0xFFFFFF40] =	vst v1;
	v1 =	vmul.f32 $1.131370830e+01, v0;
	v7 =	vld [tilespmem:s29+$0xFFFFFFB0]  }
.Ltmp1:
0x6a: {  	[tilespmem:s29+$0xFFFFFF50] =	vst v3;
	v3 =	vmul.f32 $1.131370830e+01, v5;
	v0 =	vld [tilespmem:s29+$0xFFFFFFC0];
	(pc) =	sbr.rel @p0 .LBB2_4-.Ltmp1, $4  }
0x6b: {  	[tilespmem:s29+$0xFFFFFF60] =	vst v1;
	v5 =	vmul.f32 $1.131370830e+01, v6;
	v1 =	vld [tilespmem:s29+$0xFFFFFFD0]  }
0x6c: {  	[tilespmem:s29+$0xFFFFFF70] =	vst v3;
	v6 =	vmul.f32 $1.131370830e+01, v2;
	v2 =	vld [tilespmem:s29+$0xFFFFFFE0]  }
0x6d: {  	[tilespmem:s29+$0xFFFFFF80] =	vst v5;
	v5 =	vmul.f32 $1.131370830e+01, v4;
	v3 =	vld [tilespmem:s29+$0xFFFFFFF0]  }
0x6e: {  	s29 =	sadd.s32 $0x100, s29;
	v4 =	vld [tilespmem:s26+$0xFFFFFF10];
	[tilespmem:s26+$0xFFFFFF90] =	vst v6;
	v6 =	vmul.f32 $1.131370830e+01, v7  }
0x6f: {  	[tilespmem:s26+$0xFFFFFFA0] =	vst v5;
	v0 =	vmul.f32 $1.131370830e+01, v0  }
0x70: {  	[tilespmem:s26+$0xFFFFFFB0] =	vst v6;
	v1 =	vmul.f32 $1.131370830e+01, v1  }
0x71: {  	[tilespmem:s26+$0xFFFFFFC0] =	vst v0;
	v0 =	vmul.f32 $1.131370830e+01, v2  }
0x72: {  	[tilespmem:s26+$0xFFFFFFD0] =	vst v1;
	v1 =	vmul.f32 $1.131370830e+01, v3  }
0x73: {  	v2 =	vmul.f32 $1.131370830e+01, v4;
	[tilespmem:s26+$0xFFFFFFE0] =	vst v0  }
0x74: {  	[tilespmem:s26+$0xFFFFFFF0] =	vst v1  }
0x75: {  	[tilespmem:s26+$0xFFFFFF10] =	vst v2  }
0x76: {  	[hbm4b:s19+s3] =	stream.linear.scatter [tilespmem:s20], [sflag:$0x6], $0x2000, $0x38;
	[tilespmem:$0x8100] =	vst v63  }
0x77: {  	_ =	swait.ge [sflag:s21], $0x4000  }
0x78: {  	[sflag:s21] =	ssyncset.done $0x0  }
0x79: {  	s26 =	simm.s32 $0x4100;
	[sflag:s21] =	ssyncadd.s32 $0xFFFFC000  }
0x7a: {  	v0 =	vld [tilespmem:s26+$0xF0]  }
0x7b: {  	v1 =	vld [tilespmem:s26+$0x10]  }
0x7c: {  	v2 =	vld [tilespmem:s26+$0x20]  }
0x7d: {  	v3 =	vld [tilespmem:s26+$0x30]  }
0x7e: {  	v4 =	vld [tilespmem:s26+$0x40]  }
0x7f: {  	v5 =	vld [tilespmem:s26+$0x50];
	v0 =	vmul.f32 $1.131370830e+01, v0  }
0x80: {  	v6 =	vld [tilespmem:s26+$0x60];
	v1 =	vmul.f32 $1.131370830e+01, v1  }
0x81: {  	v7 =	vld [tilespmem:s26+$0x70];
	v2 =	vmul.f32 $1.131370830e+01, v2;
	[tilespmem:s26+$0xF0] =	vst v0  }
0x82: {  	[tilespmem:s26+$0x10] =	vst v1;
	v0 =	vmul.f32 $1.131370830e+01, v3;
	v3 =	vld [tilespmem:s26+$0x80]  }
0x83: {  	[tilespmem:s26+$0x20] =	vst v2;
	v1 =	vmul.f32 $1.131370830e+01, v4;
	v4 =	vld [tilespmem:s26+$0x90]  }
0x84: {  	v8 =	vld [tilespmem:s26+$0xA0];
	v2 =	vmul.f32 $1.131370830e+01, v5;
	[tilespmem:s26+$0x30] =	vst v0  }
0x85: {  	v5 =	vmul.f32 $1.131370830e+01, v6;
	[tilespmem:s26+$0x40] =	vst v1;
	v0 =	vld [tilespmem:s26+$0xB0]  }
0x86: {  	v6 =	vmul.f32 $1.131370830e+01, v7;
	[tilespmem:s26+$0x50] =	vst v2;
	v1 =	vld [tilespmem:s26+$0xC0]  }
0x87: {  	[tilespmem:s26+$0x60] =	vst v5;
	v2 =	vld [tilespmem:s26+$0xD0];
	v7 =	vmul.f32 $1.131370830e+01, v3  }
0x88: {  	[tilespmem:s26+$0x70] =	vst v6;
	v3 =	vld [tilespmem:s26+$0xE0];
	v5 =	vmul.f32 $1.131370830e+01, v4  }
0x89: {  	s28 =	simm.s32 $0x0;
	s29 =	simm.s32 $0x4200;
	v6 =	vmul.f32 $1.131370830e+01, v8;
	v4 =	vld [tilespmem:s26+$0x0];
	[tilespmem:s26+$0x80] =	vst v7  }
.LBB2_6:
0x8a: {  	v7 =	vld [tilespmem:s29+$0xF0];
	s28 =	sadd.s32 $0x2, s28;
	[tilespmem:s26+$0x90] =	vst v5;
	v0 =	vmul.f32 $1.131370830e+01, v0  }
0x8b: {  	v5 =	vld [tilespmem:s29+$0x10];
	p0 =	slt.u32 s28, $0x3E;
	[tilespmem:s26+$0xA0] =	vst v6;
	v1 =	vmul.f32 $1.131370830e+01, v1  }
0x8c: {  	v6 =	vld [tilespmem:s29+$0x20];
	[tilespmem:s26+$0xB0] =	vst v0;
	v0 =	vmul.f32 $1.131370830e+01, v2  }
0x8d: {  	v2 =	vld [tilespmem:s29+$0x30];
	[tilespmem:s26+$0xC0] =	vst v1;
	v1 =	vmul.f32 $1.131370830e+01, v3  }
0x8e: {  	v3 =	vld [tilespmem:s29+$0x40];
	v4 =	vmul.f32 $1.131370830e+01, v4;
	[tilespmem:s26+$0xD0] =	vst v0  }
0x8f: {  	v0 =	vld [tilespmem:s29+$0x50];
	v7 =	vmul.f32 $1.131370830e+01, v7;
	[tilespmem:s26+$0xE0] =	vst v1  }
0x90: {  	v1 =	vmul.f32 $1.131370830e+01, v5;
	v5 =	vld [tilespmem:s29+$0x60];
	[tilespmem:s26+$0x0] =	vst v4;
	s26 =	smov.u32 s29  }
0x91: {  	v4 =	vmul.f32 $1.131370830e+01, v6;
	v6 =	vld [tilespmem:s29+$0x70];
	[tilespmem:s29+$0xF0] =	vst v7  }
0x92: {  	[tilespmem:s29+$0x10] =	vst v1;
	v1 =	vmul.f32 $1.131370830e+01, v2;
	v2 =	vld [tilespmem:s29+$0x80]  }
0x93: {  	[tilespmem:s29+$0x20] =	vst v4;
	v3 =	vmul.f32 $1.131370830e+01, v3;
	v4 =	vld [tilespmem:s29+$0x90]  }
0x94: {  	[tilespmem:s29+$0x30] =	vst v1;
	v1 =	vmul.f32 $1.131370830e+01, v0;
	v7 =	vld [tilespmem:s29+$0xA0]  }
.Ltmp2:
0x95: {  	[tilespmem:s29+$0x40] =	vst v3;
	v3 =	vmul.f32 $1.131370830e+01, v5;
	v0 =	vld [tilespmem:s29+$0xB0];
	(pc) =	sbr.rel @p0 .LBB2_6-.Ltmp2, $4  }
0x96: {  	[tilespmem:s29+$0x50] =	vst v1;
	v5 =	vmul.f32 $1.131370830e+01, v6;
	v1 =	vld [tilespmem:s29+$0xC0]  }
0x97: {  	[tilespmem:s29+$0x60] =	vst v3;
	v6 =	vmul.f32 $1.131370830e+01, v2;
	v2 =	vld [tilespmem:s29+$0xD0]  }
0x98: {  	[tilespmem:s29+$0x70] =	vst v5;
	v5 =	vmul.f32 $1.131370830e+01, v4;
	v3 =	vld [tilespmem:s29+$0xE0]  }
0x99: {  	s29 =	sadd.s32 $0x100, s29;
	v4 =	vld [tilespmem:s26+$0x0];
	[tilespmem:s26+$0x80] =	vst v6;
	v6 =	vmul.f32 $1.131370830e+01, v7  }
0x9a: {  	[tilespmem:s26+$0x90] =	vst v5;
	v0 =	vmul.f32 $1.131370830e+01, v0  }
0x9b: {  	[tilespmem:s26+$0xA0] =	vst v6;
	v1 =	vmul.f32 $1.131370830e+01, v1  }
0x9c: {  	[tilespmem:s26+$0xB0] =	vst v0;
	v0 =	vmul.f32 $1.131370830e+01, v2  }
0x9d: {  	[tilespmem:s26+$0xC0] =	vst v1;
	v1 =	vmul.f32 $1.131370830e+01, v3  }
0x9e: {  	v2 =	vmul.f32 $1.131370830e+01, v4;
	[tilespmem:s26+$0xD0] =	vst v0  }
0x9f: {  	[tilespmem:s26+$0xE0] =	vst v1  }
0xa0: {  	s31 =	sadd.s32 s6, s8;
	[tilespmem:s26+$0x0] =	vst v2;
	s26 =	simm.s32 $0x6100  }
0xa1: {  	[hbm4b:s31+s3] =	stream.linear.scatter [tilespmem:s13], [sflag:$0x6], $0x2000, $0x38;
	[tilespmem:$0x8100] =	vst v63  }
0xa2: {  	v0 =	vld [tilespmem:s26+$0xF0]  }
0xa3: {  	v1 =	vld [tilespmem:s26+$0x10]  }
0xa4: {  	v2 =	vld [tilespmem:s26+$0x20]  }
0xa5: {  	v3 =	vld [tilespmem:s26+$0x30]  }
0xa6: {  	v4 =	vld [tilespmem:s26+$0x40]  }
0xa7: {  	v5 =	vld [tilespmem:s26+$0x50];
	v0 =	vmul.f32 $1.131370830e+01, v0  }
0xa8: {  	v6 =	vld [tilespmem:s26+$0x60];
	v1 =	vmul.f32 $1.131370830e+01, v1  }
0xa9: {  	v7 =	vld [tilespmem:s26+$0x70];
	v2 =	vmul.f32 $1.131370830e+01, v2;
	[tilespmem:s26+$0xF0] =	vst v0  }
0xaa: {  	[tilespmem:s26+$0x10] =	vst v1;
	v0 =	vmul.f32 $1.131370830e+01, v3;
	v3 =	vld [tilespmem:s26+$0x80]  }
0xab: {  	[tilespmem:s26+$0x20] =	vst v2;
	v1 =	vmul.f32 $1.131370830e+01, v4;
	v4 =	vld [tilespmem:s26+$0x90]  }
0xac: {  	v8 =	vld [tilespmem:s26+$0xA0];
	v2 =	vmul.f32 $1.131370830e+01, v5;
	[tilespmem:s26+$0x30] =	vst v0  }
0xad: {  	v5 =	vmul.f32 $1.131370830e+01, v6;
	[tilespmem:s26+$0x40] =	vst v1;
	v0 =	vld [tilespmem:s26+$0xB0]  }
0xae: {  	v6 =	vmul.f32 $1.131370830e+01, v7;
	[tilespmem:s26+$0x50] =	vst v2;
	v1 =	vld [tilespmem:s26+$0xC0]  }
0xaf: {  	[tilespmem:s26+$0x60] =	vst v5;
	v2 =	vld [tilespmem:s26+$0xD0];
	v7 =	vmul.f32 $1.131370830e+01, v3  }
0xb0: {  	[tilespmem:s26+$0x70] =	vst v6;
	v3 =	vld [tilespmem:s26+$0xE0];
	v5 =	vmul.f32 $1.131370830e+01, v4  }
0xb1: {  	s28 =	simm.s32 $0x0;
	s29 =	simm.s32 $0x6200;
	v6 =	vmul.f32 $1.131370830e+01, v8;
	v4 =	vld [tilespmem:s26+$0x0];
	[tilespmem:s26+$0x80] =	vst v7  }
.LBB2_8:
0xb2: {  	v7 =	vld [tilespmem:s29+$0xF0];
	s28 =	sadd.s32 $0x2, s28;
	[tilespmem:s26+$0x90] =	vst v5;
	v0 =	vmul.f32 $1.131370830e+01, v0  }
0xb3: {  	v5 =	vld [tilespmem:s29+$0x10];
	p0 =	slt.u32 s28, $0x3E;
	[tilespmem:s26+$0xA0] =	vst v6;
	v1 =	vmul.f32 $1.131370830e+01, v1  }
0xb4: {  	v6 =	vld [tilespmem:s29+$0x20];
	[tilespmem:s26+$0xB0] =	vst v0;
	v0 =	vmul.f32 $1.131370830e+01, v2  }
0xb5: {  	v2 =	vld [tilespmem:s29+$0x30];
	[tilespmem:s26+$0xC0] =	vst v1;
	v1 =	vmul.f32 $1.131370830e+01, v3  }
0xb6: {  	v3 =	vld [tilespmem:s29+$0x40];
	v4 =	vmul.f32 $1.131370830e+01, v4;
	[tilespmem:s26+$0xD0] =	vst v0  }
0xb7: {  	v0 =	vld [tilespmem:s29+$0x50];
	v7 =	vmul.f32 $1.131370830e+01, v7;
	[tilespmem:s26+$0xE0] =	vst v1  }
0xb8: {  	v1 =	vmul.f32 $1.131370830e+01, v5;
	v5 =	vld [tilespmem:s29+$0x60];
	[tilespmem:s26+$0x0] =	vst v4;
	s26 =	smov.u32 s29  }
0xb9: {  	v4 =	vmul.f32 $1.131370830e+01, v6;
	v6 =	vld [tilespmem:s29+$0x70];
	[tilespmem:s29+$0xF0] =	vst v7  }
0xba: {  	[tilespmem:s29+$0x10] =	vst v1;
	v1 =	vmul.f32 $1.131370830e+01, v2;
	v2 =	vld [tilespmem:s29+$0x80]  }
0xbb: {  	[tilespmem:s29+$0x20] =	vst v4;
	v3 =	vmul.f32 $1.131370830e+01, v3;
	v4 =	vld [tilespmem:s29+$0x90]  }
0xbc: {  	[tilespmem:s29+$0x30] =	vst v1;
	v1 =	vmul.f32 $1.131370830e+01, v0;
	v7 =	vld [tilespmem:s29+$0xA0]  }
.Ltmp3:
0xbd: {  	[tilespmem:s29+$0x40] =	vst v3;
	v3 =	vmul.f32 $1.131370830e+01, v5;
	v0 =	vld [tilespmem:s29+$0xB0];
	(pc) =	sbr.rel @p0 .LBB2_8-.Ltmp3, $4  }
0xbe: {  	[tilespmem:s29+$0x50] =	vst v1;
	v5 =	vmul.f32 $1.131370830e+01, v6;
	v1 =	vld [tilespmem:s29+$0xC0]  }
0xbf: {  	[tilespmem:s29+$0x60] =	vst v3;
	v6 =	vmul.f32 $1.131370830e+01, v2;
	v2 =	vld [tilespmem:s29+$0xD0]  }
0xc0: {  	[tilespmem:s29+$0x70] =	vst v5;
	v5 =	vmul.f32 $1.131370830e+01, v4;
	v3 =	vld [tilespmem:s29+$0xE0]  }
0xc1: {  	s29 =	sadd.s32 $0x100, s29;
	v4 =	vld [tilespmem:s26+$0x0];
	[tilespmem:s26+$0x80] =	vst v6;
	v6 =	vmul.f32 $1.131370830e+01, v7  }
0xc2: {  	[tilespmem:s26+$0x90] =	vst v5;
	v0 =	vmul.f32 $1.131370830e+01, v0  }
0xc3: {  	[tilespmem:s26+$0xA0] =	vst v6;
	v1 =	vmul.f32 $1.131370830e+01, v1  }
0xc4: {  	[tilespmem:s26+$0xB0] =	vst v0;
	v61 =	vmul.f32 $1.131370830e+01, v2  }
0xc5: {  	[tilespmem:s26+$0xC0] =	vst v1;
	v62 =	vmul.f32 $1.131370830e+01, v3  }
0xc6: {  	v63 =	vmul.f32 $1.131370830e+01, v4;
	[tilespmem:s26+$0xD0] =	vst v61  }
0xc7: {  	[tilespmem:s26+$0xE0] =	vst v62  }
0xc8: {  	[tilespmem:s26+$0x0] =	vst v63  }
0xc9: {  	[hbm4b:s22+s3] =	stream.linear.scatter [tilespmem:s23], [sflag:$0x6], $0x2000, $0x38;
	[tilespmem:$0x8100] =	vst v63  }
0xca: {  	_ =	swait.ge [sflag:s24], $0x2000  }
0xcb: {  	[sflag:s24] =	ssyncset.done $0x0  }
0xcc: {  	[sflag:s24] =	ssyncadd.s32 $0xFFFFE000  }
0xcd: {  	_ =	swait.ge [sflag:s24], $0x2000  }
0xce: {  	[sflag:s24] =	ssyncset.done $0x0  }
0xcf: {  	s25 =	sadd.s32 $0x1, s25;
	[sflag:s24] =	ssyncadd.s32 $0xFFFFE000  }
0xd0: {  	p0 =	sne.s32 s25, s9;
	_ =	swait.ge [sflag:s24], $0x2000  }
.Ltmp4:
0xd1: {  	[sflag:s24] =	ssyncset.done $0x0;
	(pc) =	sbr.rel @p0 .LBB2_1-.Ltmp4, $4  }
0xd2: {  	[sflag:s24] =	ssyncadd.s32 $0xFFFFE000  }
0xd3: {  	_ =	swait.ge [sflag:s24], $0x2000  }
0xd4: {  	[sflag:s24] =	ssyncset.done $0x0  }
0xd5: {  	[sflag:s24] =	ssyncadd.s32 $0xFFFFE000  }
0xd6: {  	_ =	sfence.sel $0x180000  }
0xd7: {  	[bflag:$0x0] =	sbarrier.arrive $0xFFFF  }
0xd8: {  	p0 =	sne.s32 s2, $0x0;
	_ =	strace $0x90000047  }
0xd9: {  	s0 =	sadd.s32 @!p0 $0x100000, s0;
	[bflag:$0x2] =	sbarrier.arrive $0xFFFF  }
0xda: {  	[sflag:s0] =	ssyncadd.tile.s32 @!p0 $0x1;
	_ =	shalt  }
.Lfunc_end2:
_tile_overlayer_lowered:
.L_overlay_start_2:
0xdb: {  	(tag) =	ssettag $0x2  }
0xdc: {  	s0 =	rddreg [dreg:$0x0];
	s2 =	stileid.u32  }
0xdd: {  	s1 =	rddreg [dreg:$0x1];
	p0 =	sne.s32 s2, $0x0  }
0xde: {  	s3 =	rddreg [dreg:$0x2];
	[bflag:$0x3] =	sbarrier.arrive $0xFFFF;
	s2 =	simm.s32 @!p0 $0x1C07  }
0xdf: {  	[timem:s3], [sflag:s2] =	dma.local @!p0 [hbm:s0], s1  }
0xe0: {  	s0 =	simm.s32 @!p0 $0x7  }
0xe1: {  	_ =	swait.ge @!p0 [sflag:s0], s1  }
0xe2: {  	s1 =	ssub.s32 @!p0 $0x0, s1;
	[sflag:s0] =	ssyncset.done @!p0 $0x0  }
0xe3: {  	[sflag:s0] =	ssyncadd.s32 @!p0 s1  }
0xe4: {  	[bflag:$0x3] =	sbarrier.arrive $0xFFFF  }
0xe5: {  	_ =	shalt  }

</sc_bundles>
